<compile_context>
chip_gen: v7x
topology: tpu7x:2x2x1
jax: 0.10.2.dev20260603
libtpu: 0.0.44.dev20260713+nightly
codegen_flags: <defaults>
</compile_context>

<pallas_src>
import functools

import jax
import jax.numpy as jnp
from jax import lax
from jax.experimental import pallas as pl
from jax.experimental.pallas import tpu as pltpu
from jax.experimental.pallas import tpu_sc as plsc

_N = 16384
_D = 128
_C = 100
_CP = 128
_CS = 112
_B = 2048
_K = _N // _B
_NW = 32
_RW = _N // _NW
_G = _RW // 128


def _sc_body(feat_hbm, lab_hbm, out_hbm, f_v, lab_v, z_v, acc_sh, sem):
    c = lax.axis_index("c")
    s = lax.axis_index("s")
    wid = c * 16 + s
    fcp = pltpu.make_async_copy(feat_hbm.at[pl.ds(wid * _RW, _RW), :], f_v,
                                sem)
    fcp.start()
    lcp = pltpu.make_async_copy(lab_hbm.at[pl.ds(wid * _G, _G), :], lab_v,
                                sem)
    lcp.start()

    zeros16 = jnp.zeros((16,), jnp.float32)
    for r in range(_CS // 16):
        for k in range(_D // 16):
            z_v[r, pl.ds(k * 16, 16)] = zeros16
    pltpu.sync_copy(z_v.at[pl.ds(0, _CS // 16), :],
                    acc_sh.at[pl.ds(s * (_CS // 16), _CS // 16), :])
    plsc.subcore_barrier()
    fcp.wait()
    lcp.wait()

    descs = []
    for j in range(_G):
        descs.append(pltpu.async_copy(
            f_v.at[pl.ds(j * 128, 128), :], acc_sh.at[lab_v.at[j]], sem,
            add=True))
    for d in descs:
        d.wait()
    plsc.subcore_barrier()

    @pl.when(s == 0)
    def _dump():
        pltpu.sync_copy(acc_sh, out_hbm.at[c])


_sc_segsum = functools.partial(
    pl.kernel,
    out_type=jax.ShapeDtypeStruct((2, _CS, _D), jnp.float32),
    mesh=plsc.VectorSubcoreMesh(core_axis_name="c", subcore_axis_name="s"),
    compiler_params=pltpu.CompilerParams(needs_layout_passes=False),
    scratch_types=[
        pltpu.VMEM((_RW, _D), jnp.float32),
        pltpu.VMEM((_G, 128), jnp.int32),
        pltpu.VMEM((_CS // 16, _D), jnp.float32),
        pltpu.VMEM_SHARED((_CS, _D), jnp.float32),
        pltpu.SemaphoreType.DMA,
    ],
)(_sc_body)


def _onehot_moments(lab, p):
    oh = (lab[:, None] == jax.lax.broadcasted_iota(jnp.int32, (_B, _CP), 1)
          ).astype(jnp.float32)
    a = oh * p
    return jnp.concatenate([
        jnp.sum(oh, axis=0, keepdims=True),
        jnp.sum(a, axis=0, keepdims=True),
        jnp.sum(a * p, axis=0, keepdims=True),
    ], axis=0)


def _ct_body(lab_ref, feat_ref, cent_ref, out_ref, cb_ref, acc_ref):
    i = pl.program_id(0)

    @pl.when(i == 0)
    def _prep():
        cent = cent_ref[...]
        cbn = jnp.sqrt(jnp.sum(cent * cent, axis=1))
        cb_ref[...] = jnp.concatenate(
            [cent * cbn[:, None], jnp.zeros((_CP - _C, _D), jnp.float32)],
            axis=0)
        acc_ref[...] = jnp.zeros((3, _CP), jnp.float32)

    f = feat_ref[...]
    inv_rn = jax.lax.rsqrt(jnp.sum(f * f, axis=1))
    fn = f * inv_rn[:, None]
    p2 = jax.lax.dot_general(
        fn, cb_ref[...], (((1,), (1,)), ((), ())),
        preferred_element_type=jnp.float32)
    acc_ref[...] += _onehot_moments(lab_ref[0, 0, :], p2)

    @pl.when(i == _K - 1)
    def _emit():
        out_ref[...] = acc_ref[...]


def _fin_body(part_ref, lab_ref, feat_ref, ct_ref, out_ref,
              m_ref, acc_ref, sc_ref):
    i = pl.program_id(0)

    @pl.when(i == 0)
    def _boundary():
        t = part_ref[0, :_C, :] + part_ref[1, :_C, :]
        ni = ct_ref[0, :_C]
        om = jnp.sum(t, axis=0) / _N
        ni_safe = jnp.where(ni > 0, ni, 1.0)
        mc = t / ni_safe[:, None]
        om_norm = jnp.sqrt(jnp.sum(om * om))
        mcn = jnp.sqrt(jnp.sum(mc * mc, axis=1))
        mcn_safe = jnp.where(mcn > 0, mcn, 1.0)
        d_cls = 1.0 - jnp.sum(mc * om[None, :], axis=1) / mcn_safe * om_norm
        sc_ref[0] = jnp.sum((ni / _N) * d_cls * d_cls)
        m = mc * mcn[:, None]
        m_ref[...] = jnp.concatenate(
            [m, jnp.zeros((_CP - _C, _D), jnp.float32)], axis=0)
        acc_ref[...] = jnp.zeros((3, _CP), jnp.float32)

    @pl.when(i > 0)
    def _phase_b():
        f = feat_ref[...]
        inv_rn = jax.lax.rsqrt(jnp.sum(f * f, axis=1))
        fn = f * inv_rn[:, None]
        p1 = jax.lax.dot_general(
            fn, m_ref[...], (((1,), (1,)), ((), ())),
            preferred_element_type=jnp.float32)
        acc_ref[...] += _onehot_moments(lab_ref[0, 0, :], p1)

    @pl.when(i == _K)
    def _final():
        accs = acc_ref[...]
        cts = ct_ref[...]
        sw = _N - 2.0 * jnp.sum(accs[1, :]) + jnp.sum(accs[2, :])
        ct = _N - 2.0 * jnp.sum(cts[1, :]) + jnp.sum(cts[2, :])
        loss = (sw / _N) / sc_ref[0] + ct / _N
        out_ref[...] = jnp.full((1, 1), loss, jnp.float32)


def kernel(features, labels, centers):
    lab2 = labels.reshape(_NW * _G, 128)
    part = _sc_segsum(features, lab2)
    lab3 = labels.reshape(_K, 1, _B)
    ct_acc = pl.pallas_call(
        _ct_body,
        grid=(_K,),
        in_specs=[
            pl.BlockSpec((1, 1, _B), lambda i: (i, 0, 0)),
            pl.BlockSpec((_B, _D), lambda i: (i, 0)),
            pl.BlockSpec((_C, _D), lambda i: (0, 0)),
        ],
        out_specs=pl.BlockSpec((3, _CP), lambda i: (0, 0)),
        out_shape=jax.ShapeDtypeStruct((3, _CP), jnp.float32),
        scratch_shapes=[
            pltpu.VMEM((_CP, _D), jnp.float32),
            pltpu.VMEM((3, _CP), jnp.float32),
        ],
    )(lab3, features, centers)
    out = pl.pallas_call(
        _fin_body,
        grid=(_K + 1,),
        in_specs=[
            pl.BlockSpec((2, _CS, _D), lambda i: (0, 0, 0)),
            pl.BlockSpec((1, 1, _B), lambda i: (jnp.maximum(i - 1, 0), 0, 0)),
            pl.BlockSpec((_B, _D), lambda i: (jnp.maximum(i - 1, 0), 0)),
            pl.BlockSpec((3, _CP), lambda i: (0, 0)),
        ],
        out_specs=pl.BlockSpec((1, 1), lambda i: (0, 0)),
        out_shape=jax.ShapeDtypeStruct((1, 1), jnp.float32),
        scratch_shapes=[
            pltpu.VMEM((_CP, _D), jnp.float32),
            pltpu.VMEM((3, _CP), jnp.float32),
            pltpu.SMEM((4,), jnp.float32),
        ],
    )(part, lab3, features, ct_acc)
    return out.reshape(())

# --- scband reference (transcript-rebuilt; emitter-appended) ---
"""Pipeline reference for scband-cosine-sccl-41523743817789 (READ-ONLY COPY).

The authoritative reference and input builder live on the scoring server;
editing this copy changes nothing except your own understanding.
"""

import jax, jax.numpy as jnp
import numpy as np

NUM_CLASSES = 100
FEAT_DIM = 128
BATCH = 16384


def setup_inputs(seed: int = 0) -> dict:
    key = jax.random.key(seed)
    k1, k2, k3 = jax.random.split(key, 3)
    features = jax.random.normal(k1, (BATCH, FEAT_DIM), dtype=jnp.float32)
    labels = jax.random.randint(k2, (BATCH,), 0, NUM_CLASSES, dtype=jnp.int32)
    # learned class centers (SCCL_Base.centers, xavier-uniform-ish scale)
    limit = float(np.sqrt(6.0 / (NUM_CLASSES + FEAT_DIM)))
    centers = jax.random.uniform(k3, (NUM_CLASSES, FEAT_DIM), minval=-limit, maxval=limit, dtype=jnp.float32)
    return {"features": features, "labels": labels, "centers": centers}


def _cosine_dist_rows(u, v):
    # faithful to original buggy precedence: 1 - dot(u,v)/||u|| * ||v||
    return 1.0 - (u @ v) / jnp.linalg.norm(u, axis=-1) * jnp.linalg.norm(v)


def _forward(features, centers, labels):
    N = features.shape[0]
    C = NUM_CLASSES
    Ni = jnp.bincount(labels, length=C).astype(features.dtype)
    Ni_safe = jnp.where(Ni > 0, Ni, 1.0)
    overall_mean = jnp.mean(features, axis=0)
    # per-class means (nan_to_num on empty classes -> 0, matching torch)
    class_sums = jax.ops.segment_sum(features, labels, num_segments=C)
    mean_classes = jnp.nan_to_num(class_sums / Ni_safe[:, None])
    # St
    d_all = _cosine_dist_rows(features, overall_mean)
    st = (d_all * d_all).sum() / N
    # Sb (weighted)
    mc_norms = jnp.linalg.norm(mean_classes, axis=-1)
    mc_norms = jnp.where(mc_norms > 0, mc_norms, 1.0)
    d_cls = 1.0 - (mean_classes @ overall_mean) / mc_norms * jnp.linalg.norm(overall_mean)
    sb = ((Ni / N) * d_cls * d_cls).sum()
    # Sw (weighted): per-row cosine dist to own class mean
    mc = mean_classes[labels]
    d_w = 1.0 - jnp.sum(features * mc, axis=-1) / jnp.linalg.norm(features, axis=-1) * jnp.linalg.norm(mc, axis=-1)
    sw_per_class = jax.ops.segment_sum(d_w * d_w, labels, num_segments=C)
    sw = ((1.0 / Ni_safe) * sw_per_class * (Ni / N)).sum()
    # center attraction term using learned centers (SCCL)
    cb = centers[labels]
    d_c = 1.0 - jnp.sum(features * cb, axis=-1) / jnp.linalg.norm(features, axis=-1) * jnp.linalg.norm(cb, axis=-1)
    center_term = (d_c * d_c).mean()
    loss = sw / sb + center_term
    return loss


def reference(features, labels, centers):
    return _forward(features, centers, labels)

if __name__ == "__main__":
    import jax
    _d = setup_inputs()
    print(jax.jit(kernel)(*tuple(_d.values())))

</pallas_src>

<mosaic_0001>
#map = affine_map<(d0, d1) -> (0, 0)>
#map1 = affine_map<(d0, d1) -> (0, 0, 0)>
module attributes {stable_mosaic.version = 14 : i64} {
  func.func @_sc_body(%arg0: i32, %arg1: i32, %arg2: memref<16384x128xf32, #tpu.memory_space<hbm>>, %arg3: memref<128x128xi32, #tpu.memory_space<hbm>>, %arg4: memref<2x112x128xf32, #tpu.memory_space<hbm>>, %arg5: memref<512x128xf32, #tpu.memory_space<vmem>>, %arg6: memref<4x128xi32, #tpu.memory_space<vmem>>, %arg7: memref<7x128xf32, #tpu.memory_space<vmem>>, %arg8: memref<112x128xf32, #tpu.memory_space<vmem_shared>>, %arg9: memref<!tpu.dma_semaphore, #tpu.memory_space<semaphore_mem>>) attributes {dimension_semantics = [#tpu.dimension_semantics<core_parallel>, #tpu.dimension_semantics<subcore_parallel>], iteration_bounds = array<i64: 2, 16>, scalar_prefetch = 0 : i64, scratch_operands = 5 : i64, tpu.core_type = #tpu.core_type<sc_vector_subcore>, window_params = [{transform_indices = #map}, {transform_indices = #map}, {transform_indices = #map1}]} {
    %mul3A = arith.constant 16 : i32
    %mul3A_0 = arith.muli %arg0, %mul3A : i32
    %add3A = arith.addi %mul3A_0, %arg1 : i32
    %mul3A_1 = arith.constant 512 : i32
    %mul3A_2 = arith.muli %add3A, %mul3A_1 : i32
    %dma_start3A = arith.constant 0 : i32
    %dma_start3A_3 = tpu.memref_slice %arg2[%mul3A_2, %dma_start3A] : memref<16384x128xf32, #tpu.memory_space<hbm>> -> memref<512x128xf32, #tpu.memory_space<hbm>>
    %dma_start3A_4 = arith.constant 0 : i32
    %dma_start3A_5 = tpu.memref_slice %arg2[%mul3A_2, %dma_start3A_4] : memref<16384x128xf32, #tpu.memory_space<hbm>> -> memref<512x128xf32, #tpu.memory_space<hbm>>
    tpu.enqueue_dma source(%dma_start3A_5 : memref<512x128xf32, #tpu.memory_space<hbm>>) target(%arg5 : memref<512x128xf32, #tpu.memory_space<vmem>>) target_semaphore(%arg9 : memref<!tpu.dma_semaphore, #tpu.memory_space<semaphore_mem>>)
    %mul3A_6 = arith.constant 4 : i32
    %mul3A_7 = arith.muli %add3A, %mul3A_6 : i32
    %dma_start3A_8 = arith.constant 0 : i32
    %dma_start3A_9 = tpu.memref_slice %arg3[%mul3A_7, %dma_start3A_8] : memref<128x128xi32, #tpu.memory_space<hbm>> -> memref<4x128xi32, #tpu.memory_space<hbm>>
    %dma_start3A_10 = arith.constant 0 : i32
    %dma_start3A_11 = tpu.memref_slice %arg3[%mul3A_7, %dma_start3A_10] : memref<128x128xi32, #tpu.memory_space<hbm>> -> memref<4x128xi32, #tpu.memory_space<hbm>>
    tpu.enqueue_dma source(%dma_start3A_11 : memref<4x128xi32, #tpu.memory_space<hbm>>) target(%arg6 : memref<4x128xi32, #tpu.memory_space<vmem>>) target_semaphore(%arg9 : memref<!tpu.dma_semaphore, #tpu.memory_space<semaphore_mem>>)
    %broadcast_in_dim3A = arith.constant 0.000000e+00 : f32
    %broadcast_in_dim3A_12 = vector.broadcast %broadcast_in_dim3A : f32 to vector<16xf32>
    %swap3A = arith.constant 0 : i32
    %swap3A_13 = arith.index_cast %swap3A : i32 to index
    %swap3A_14 = arith.constant 0 : index
    %swap3A_15 = tpu.vector_load %arg7[%swap3A_13, %swap3A_14] {strides = array<i32>} : memref<7x128xf32, #tpu.memory_space<vmem>>, vector<16xf32>,
    tpu.vector_store %arg7[%swap3A_13, %swap3A_14], %broadcast_in_dim3A_12 {strides = array<i32>} : memref<7x128xf32, #tpu.memory_space<vmem>>, vector<16xf32>,
    %swap3A_16 = arith.constant 0 : i32
    %swap3A_17 = arith.index_cast %swap3A_16 : i32 to index
    %swap3A_18 = arith.constant 16 : index
    %swap3A_19 = tpu.vector_load %arg7[%swap3A_17, %swap3A_18] {strides = array<i32>} : memref<7x128xf32, #tpu.memory_space<vmem>>, vector<16xf32>,
    tpu.vector_store %arg7[%swap3A_17, %swap3A_18], %broadcast_in_dim3A_12 {strides = array<i32>} : memref<7x128xf32, #tpu.memory_space<vmem>>, vector<16xf32>,
    %swap3A_20 = arith.constant 0 : i32
    %swap3A_21 = arith.index_cast %swap3A_20 : i32 to index
    %swap3A_22 = arith.constant 32 : index
    %swap3A_23 = tpu.vector_load %arg7[%swap3A_21, %swap3A_22] {strides = array<i32>} : memref<7x128xf32, #tpu.memory_space<vmem>>, vector<16xf32>,
    tpu.vector_store %arg7[%swap3A_21, %swap3A_22], %broadcast_in_dim3A_12 {strides = array<i32>} : memref<7x128xf32, #tpu.memory_space<vmem>>, vector<16xf32>,
    %swap3A_24 = arith.constant 0 : i32
    %swap3A_25 = arith.index_cast %swap3A_24 : i32 to index
    %swap3A_26 = arith.constant 48 : index
    %swap3A_27 = tpu.vector_load %arg7[%swap3A_25, %swap3A_26] {strides = array<i32>} : memref<7x128xf32, #tpu.memory_space<vmem>>, vector<16xf32>,
    tpu.vector_store %arg7[%swap3A_25, %swap3A_26], %broadcast_in_dim3A_12 {strides = array<i32>} : memref<7x128xf32, #tpu.memory_space<vmem>>, vector<16xf32>,
    %swap3A_28 = arith.constant 0 : i32
    %swap3A_29 = arith.index_cast %swap3A_28 : i32 to index
    %swap3A_30 = arith.constant 64 : index
    %swap3A_31 = tpu.vector_load %arg7[%swap3A_29, %swap3A_30] {strides = array<i32>} : memref<7x128xf32, #tpu.memory_space<vmem>>, vector<16xf32>,
    tpu.vector_store %arg7[%swap3A_29, %swap3A_30], %broadcast_in_dim3A_12 {strides = array<i32>} : memref<7x128xf32, #tpu.memory_space<vmem>>, vector<16xf32>,
    %swap3A_32 = arith.constant 0 : i32
    %swap3A_33 = arith.index_cast %swap3A_32 : i32 to index
    %swap3A_34 = arith.constant 80 : index
    %swap3A_35 = tpu.vector_load %arg7[%swap3A_33, %swap3A_34] {strides = array<i32>} : memref<7x128xf32, #tpu.memory_space<vmem>>, vector<16xf32>,
    tpu.vector_store %arg7[%swap3A_33, %swap3A_34], %broadcast_in_dim3A_12 {strides = array<i32>} : memref<7x128xf32, #tpu.memory_space<vmem>>, vector<16xf32>,
    %swap3A_36 = arith.constant 0 : i32
    %swap3A_37 = arith.index_cast %swap3A_36 : i32 to index
    %swap3A_38 = arith.constant 96 : index
    %swap3A_39 = tpu.vector_load %arg7[%swap3A_37, %swap3A_38] {strides = array<i32>} : memref<7x128xf32, #tpu.memory_space<vmem>>, vector<16xf32>,
    tpu.vector_store %arg7[%swap3A_37, %swap3A_38], %broadcast_in_dim3A_12 {strides = array<i32>} : memref<7x128xf32, #tpu.memory_space<vmem>>, vector<16xf32>,
    %swap3A_40 = arith.constant 0 : i32
    %swap3A_41 = arith.index_cast %swap3A_40 : i32 to index
    %swap3A_42 = arith.constant 112 : index
    %swap3A_43 = tpu.vector_load %arg7[%swap3A_41, %swap3A_42] {strides = array<i32>} : memref<7x128xf32, #tpu.memory_space<vmem>>, vector<16xf32>,
    tpu.vector_store %arg7[%swap3A_41, %swap3A_42], %broadcast_in_dim3A_12 {strides = array<i32>} : memref<7x128xf32, #tpu.memory_space<vmem>>, vector<16xf32>,
    %swap3A_44 = arith.constant 1 : i32
    %swap3A_45 = arith.index_cast %swap3A_44 : i32 to index
    %swap3A_46 = arith.constant 0 : index
    %swap3A_47 = tpu.vector_load %arg7[%swap3A_45, %swap3A_46] {strides = array<i32>} : memref<7x128xf32, #tpu.memory_space<vmem>>, vector<16xf32>,
    tpu.vector_store %arg7[%swap3A_45, %swap3A_46], %broadcast_in_dim3A_12 {strides = array<i32>} : memref<7x128xf32, #tpu.memory_space<vmem>>, vector<16xf32>,
    %swap3A_48 = arith.constant 1 : i32
    %swap3A_49 = arith.index_cast %swap3A_48 : i32 to index
    %swap3A_50 = arith.constant 16 : index
    %swap3A_51 = tpu.vector_load %arg7[%swap3A_49, %swap3A_50] {strides = array<i32>} : memref<7x128xf32, #tpu.memory_space<vmem>>, vector<16xf32>,
    tpu.vector_store %arg7[%swap3A_49, %swap3A_50], %broadcast_in_dim3A_12 {strides = array<i32>} : memref<7x128xf32, #tpu.memory_space<vmem>>, vector<16xf32>,
    %swap3A_52 = arith.constant 1 : i32
    %swap3A_53 = arith.index_cast %swap3A_52 : i32 to index
    %swap3A_54 = arith.constant 32 : index
    %swap3A_55 = tpu.vector_load %arg7[%swap3A_53, %swap3A_54] {strides = array<i32>} : memref<7x128xf32, #tpu.memory_space<vmem>>, vector<16xf32>,
    tpu.vector_store %arg7[%swap3A_53, %swap3A_54], %broadcast_in_dim3A_12 {strides = array<i32>} : memref<7x128xf32, #tpu.memory_space<vmem>>, vector<16xf32>,
    %swap3A_56 = arith.constant 1 : i32
    %swap3A_57 = arith.index_cast %swap3A_56 : i32 to index
    %swap3A_58 = arith.constant 48 : index
    %swap3A_59 = tpu.vector_load %arg7[%swap3A_57, %swap3A_58] {strides = array<i32>} : memref<7x128xf32, #tpu.memory_space<vmem>>, vector<16xf32>,
    tpu.vector_store %arg7[%swap3A_57, %swap3A_58], %broadcast_in_dim3A_12 {strides = array<i32>} : memref<7x128xf32, #tpu.memory_space<vmem>>, vector<16xf32>,
    %swap3A_60 = arith.constant 1 : i32
    %swap3A_61 = arith.index_cast %swap3A_60 : i32 to index
    %swap3A_62 = arith.constant 64 : index
    %swap3A_63 = tpu.vector_load %arg7[%swap3A_61, %swap3A_62] {strides = array<i32>} : memref<7x128xf32, #tpu.memory_space<vmem>>, vector<16xf32>,
    tpu.vector_store %arg7[%swap3A_61, %swap3A_62], %broadcast_in_dim3A_12 {strides = array<i32>} : memref<7x128xf32, #tpu.memory_space<vmem>>, vector<16xf32>,
    %swap3A_64 = arith.constant 1 : i32
    %swap3A_65 = arith.index_cast %swap3A_64 : i32 to index
    %swap3A_66 = arith.constant 80 : index
    %swap3A_67 = tpu.vector_load %arg7[%swap3A_65, %swap3A_66] {strides = array<i32>} : memref<7x128xf32, #tpu.memory_space<vmem>>, vector<16xf32>,
    tpu.vector_store %arg7[%swap3A_65, %swap3A_66], %broadcast_in_dim3A_12 {strides = array<i32>} : memref<7x128xf32, #tpu.memory_space<vmem>>, vector<16xf32>,
    %swap3A_68 = arith.constant 1 : i32
    %swap3A_69 = arith.index_cast %swap3A_68 : i32 to index
    %swap3A_70 = arith.constant 96 : index
    %swap3A_71 = tpu.vector_load %arg7[%swap3A_69, %swap3A_70] {strides = array<i32>} : memref<7x128xf32, #tpu.memory_space<vmem>>, vector<16xf32>,
    tpu.vector_store %arg7[%swap3A_69, %swap3A_70], %broadcast_in_dim3A_12 {strides = array<i32>} : memref<7x128xf32, #tpu.memory_space<vmem>>, vector<16xf32>,
    %swap3A_72 = arith.constant 1 : i32
    %swap3A_73 = arith.index_cast %swap3A_72 : i32 to index
    %swap3A_74 = arith.constant 112 : index
    %swap3A_75 = tpu.vector_load %arg7[%swap3A_73, %swap3A_74] {strides = array<i32>} : memref<7x128xf32, #tpu.memory_space<vmem>>, vector<16xf32>,
    tpu.vector_store %arg7[%swap3A_73, %swap3A_74], %broadcast_in_dim3A_12 {strides = array<i32>} : memref<7x128xf32, #tpu.memory_space<vmem>>, vector<16xf32>,
    %swap3A_76 = arith.constant 2 : i32
    %swap3A_77 = arith.index_cast %swap3A_76 : i32 to index
    %swap3A_78 = arith.constant 0 : index
    %swap3A_79 = tpu.vector_load %arg7[%swap3A_77, %swap3A_78] {strides = array<i32>} : memref<7x128xf32, #tpu.memory_space<vmem>>, vector<16xf32>,
    tpu.vector_store %arg7[%swap3A_77, %swap3A_78], %broadcast_in_dim3A_12 {strides = array<i32>} : memref<7x128xf32, #tpu.memory_space<vmem>>, vector<16xf32>,
    %swap3A_80 = arith.constant 2 : i32
    %swap3A_81 = arith.index_cast %swap3A_80 : i32 to index
    %swap3A_82 = arith.constant 16 : index
    %swap3A_83 = tpu.vector_load %arg7[%swap3A_81, %swap3A_82] {strides = array<i32>} : memref<7x128xf32, #tpu.memory_space<vmem>>, vector<16xf32>,
    tpu.vector_store %arg7[%swap3A_81, %swap3A_82], %broadcast_in_dim3A_12 {strides = array<i32>} : memref<7x128xf32, #tpu.memory_space<vmem>>, vector<16xf32>,
    %swap3A_84 = arith.constant 2 : i32
    %swap3A_85 = arith.index_cast %swap3A_84 : i32 to index
    %swap3A_86 = arith.constant 32 : index
    %swap3A_87 = tpu.vector_load %arg7[%swap3A_85, %swap3A_86] {strides = array<i32>} : memref<7x128xf32, #tpu.memory_space<vmem>>, vector<16xf32>,
    tpu.vector_store %arg7[%swap3A_85, %swap3A_86], %broadcast_in_dim3A_12 {strides = array<i32>} : memref<7x128xf32, #tpu.memory_space<vmem>>, vector<16xf32>,
    %swap3A_88 = arith.constant 2 : i32
    %swap3A_89 = arith.index_cast %swap3A_88 : i32 to index
    %swap3A_90 = arith.constant 48 : index
    %swap3A_91 = tpu.vector_load %arg7[%swap3A_89, %swap3A_90] {strides = array<i32>} : memref<7x128xf32, #tpu.memory_space<vmem>>, vector<16xf32>,
    tpu.vector_store %arg7[%swap3A_89, %swap3A_90], %broadcast_in_dim3A_12 {strides = array<i32>} : memref<7x128xf32, #tpu.memory_space<vmem>>, vector<16xf32>,
    %swap3A_92 = arith.constant 2 : i32
    %swap3A_93 = arith.index_cast %swap3A_92 : i32 to index
    %swap3A_94 = arith.constant 64 : index
    %swap3A_95 = tpu.vector_load %arg7[%swap3A_93, %swap3A_94] {strides = array<i32>} : memref<7x128xf32, #tpu.memory_space<vmem>>, vector<16xf32>,
    tpu.vector_store %arg7[%swap3A_93, %swap3A_94], %broadcast_in_dim3A_12 {strides = array<i32>} : memref<7x128xf32, #tpu.memory_space<vmem>>, vector<16xf32>,
    %swap3A_96 = arith.constant 2 : i32
    %swap3A_97 = arith.index_cast %swap3A_96 : i32 to index
    %swap3A_98 = arith.constant 80 : index
    %swap3A_99 = tpu.vector_load %arg7[%swap3A_97, %swap3A_98] {strides = array<i32>} : memref<7x128xf32, #tpu.memory_space<vmem>>, vector<16xf32>,
    tpu.vector_store %arg7[%swap3A_97, %swap3A_98], %broadcast_in_dim3A_12 {strides = array<i32>} : memref<7x128xf32, #tpu.memory_space<vmem>>, vector<16xf32>,
    %swap3A_100 = arith.constant 2 : i32
    %swap3A_101 = arith.index_cast %swap3A_100 : i32 to index
    %swap3A_102 = arith.constant 96 : index
    %swap3A_103 = tpu.vector_load %arg7[%swap3A_101, %swap3A_102] {strides = array<i32>} : memref<7x128xf32, #tpu.memory_space<vmem>>, vector<16xf32>,
    tpu.vector_store %arg7[%swap3A_101, %swap3A_102], %broadcast_in_dim3A_12 {strides = array<i32>} : memref<7x128xf32, #tpu.memory_space<vmem>>, vector<16xf32>,
    %swap3A_104 = arith.constant 2 : i32
    %swap3A_105 = arith.index_cast %swap3A_104 : i32 to index
    %swap3A_106 = arith.constant 112 : index
    %swap3A_107 = tpu.vector_load %arg7[%swap3A_105, %swap3A_106] {strides = array<i32>} : memref<7x128xf32, #tpu.memory_space<vmem>>, vector<16xf32>,
    tpu.vector_store %arg7[%swap3A_105, %swap3A_106], %broadcast_in_dim3A_12 {strides = array<i32>} : memref<7x128xf32, #tpu.memory_space<vmem>>, vector<16xf32>,
    %swap3A_108 = arith.constant 3 : i32
    %swap3A_109 = arith.index_cast %swap3A_108 : i32 to index
    %swap3A_110 = arith.constant 0 : index
    %swap3A_111 = tpu.vector_load %arg7[%swap3A_109, %swap3A_110] {strides = array<i32>} : memref<7x128xf32, #tpu.memory_space<vmem>>, vector<16xf32>,
    tpu.vector_store %arg7[%swap3A_109, %swap3A_110], %broadcast_in_dim3A_12 {strides = array<i32>} : memref<7x128xf32, #tpu.memory_space<vmem>>, vector<16xf32>,
    %swap3A_112 = arith.constant 3 : i32
    %swap3A_113 = arith.index_cast %swap3A_112 : i32 to index
    %swap3A_114 = arith.constant 16 : index
    %swap3A_115 = tpu.vector_load %arg7[%swap3A_113, %swap3A_114] {strides = array<i32>} : memref<7x128xf32, #tpu.memory_space<vmem>>, vector<16xf32>,
    tpu.vector_store %arg7[%swap3A_113, %swap3A_114], %broadcast_in_dim3A_12 {strides = array<i32>} : memref<7x128xf32, #tpu.memory_space<vmem>>, vector<16xf32>,
    %swap3A_116 = arith.constant 3 : i32
    %swap3A_117 = arith.index_cast %swap3A_116 : i32 to index
    %swap3A_118 = arith.constant 32 : index
    %swap3A_119 = tpu.vector_load %arg7[%swap3A_117, %swap3A_118] {strides = array<i32>} : memref<7x128xf32, #tpu.memory_space<vmem>>, vector<16xf32>,
    tpu.vector_store %arg7[%swap3A_117, %swap3A_118], %broadcast_in_dim3A_12 {strides = array<i32>} : memref<7x128xf32, #tpu.memory_space<vmem>>, vector<16xf32>,
    %swap3A_120 = arith.constant 3 : i32
    %swap3A_121 = arith.index_cast %swap3A_120 : i32 to index
    %swap3A_122 = arith.constant 48 : index
    %swap3A_123 = tpu.vector_load %arg7[%swap3A_121, %swap3A_122] {strides = array<i32>} : memref<7x128xf32, #tpu.memory_space<vmem>>, vector<16xf32>,
    tpu.vector_store %arg7[%swap3A_121, %swap3A_122], %broadcast_in_dim3A_12 {strides = array<i32>} : memref<7x128xf32, #tpu.memory_space<vmem>>, vector<16xf32>,
    %swap3A_124 = arith.constant 3 : i32
    %swap3A_125 = arith.index_cast %swap3A_124 : i32 to index
    %swap3A_126 = arith.constant 64 : index
    %swap3A_127 = tpu.vector_load %arg7[%swap3A_125, %swap3A_126] {strides = array<i32>} : memref<7x128xf32, #tpu.memory_space<vmem>>, vector<16xf32>,
    tpu.vector_store %arg7[%swap3A_125, %swap3A_126], %broadcast_in_dim3A_12 {strides = array<i32>} : memref<7x128xf32, #tpu.memory_space<vmem>>, vector<16xf32>,
    %swap3A_128 = arith.constant 3 : i32
    %swap3A_129 = arith.index_cast %swap3A_128 : i32 to index
    %swap3A_130 = arith.constant 80 : index
    %swap3A_131 = tpu.vector_load %arg7[%swap3A_129, %swap3A_130] {strides = array<i32>} : memref<7x128xf32, #tpu.memory_space<vmem>>, vector<16xf32>,
    tpu.vector_store %arg7[%swap3A_129, %swap3A_130], %broadcast_in_dim3A_12 {strides = array<i32>} : memref<7x128xf32, #tpu.memory_space<vmem>>, vector<16xf32>,
    %swap3A_132 = arith.constant 3 : i32
    %swap3A_133 = arith.index_cast %swap3A_132 : i32 to index
    %swap3A_134 = arith.constant 96 : index
    %swap3A_135 = tpu.vector_load %arg7[%swap3A_133, %swap3A_134] {strides = array<i32>} : memref<7x128xf32, #tpu.memory_space<vmem>>, vector<16xf32>,
    tpu.vector_store %arg7[%swap3A_133, %swap3A_134], %broadcast_in_dim3A_12 {strides = array<i32>} : memref<7x128xf32, #tpu.memory_space<vmem>>, vector<16xf32>,
    %swap3A_136 = arith.constant 3 : i32
    %swap3A_137 = arith.index_cast %swap3A_136 : i32 to index
    %swap3A_138 = arith.constant 112 : index
    %swap3A_139 = tpu.vector_load %arg7[%swap3A_137, %swap3A_138] {strides = array<i32>} : memref<7x128xf32, #tpu.memory_space<vmem>>, vector<16xf32>,
    tpu.vector_store %arg7[%swap3A_137, %swap3A_138], %broadcast_in_dim3A_12 {strides = array<i32>} : memref<7x128xf32, #tpu.memory_space<vmem>>, vector<16xf32>,
    %swap3A_140 = arith.constant 4 : i32
    %swap3A_141 = arith.index_cast %swap3A_140 : i32 to index
    %swap3A_142 = arith.constant 0 : index
    %swap3A_143 = tpu.vector_load %arg7[%swap3A_141, %swap3A_142] {strides = array<i32>} : memref<7x128xf32, #tpu.memory_space<vmem>>, vector<16xf32>,
    tpu.vector_store %arg7[%swap3A_141, %swap3A_142], %broadcast_in_dim3A_12 {strides = array<i32>} : memref<7x128xf32, #tpu.memory_space<vmem>>, vector<16xf32>,
    %swap3A_144 = arith.constant 4 : i32
    %swap3A_145 = arith.index_cast %swap3A_144 : i32 to index
    %swap3A_146 = arith.constant 16 : index
    %swap3A_147 = tpu.vector_load %arg7[%swap3A_145, %swap3A_146] {strides = array<i32>} : memref<7x128xf32, #tpu.memory_space<vmem>>, vector<16xf32>,
    tpu.vector_store %arg7[%swap3A_145, %swap3A_146], %broadcast_in_dim3A_12 {strides = array<i32>} : memref<7x128xf32, #tpu.memory_space<vmem>>, vector<16xf32>,
    %swap3A_148 = arith.constant 4 : i32
    %swap3A_149 = arith.index_cast %swap3A_148 : i32 to index
    %swap3A_150 = arith.constant 32 : index
    %swap3A_151 = tpu.vector_load %arg7[%swap3A_149, %swap3A_150] {strides = array<i32>} : memref<7x128xf32, #tpu.memory_space<vmem>>, vector<16xf32>,
    tpu.vector_store %arg7[%swap3A_149, %swap3A_150], %broadcast_in_dim3A_12 {strides = array<i32>} : memref<7x128xf32, #tpu.memory_space<vmem>>, vector<16xf32>,
    %swap3A_152 = arith.constant 4 : i32
    %swap3A_153 = arith.index_cast %swap3A_152 : i32 to index
    %swap3A_154 = arith.constant 48 : index
    %swap3A_155 = tpu.vector_load %arg7[%swap3A_153, %swap3A_154] {strides = array<i32>} : memref<7x128xf32, #tpu.memory_space<vmem>>, vector<16xf32>,
    tpu.vector_store %arg7[%swap3A_153, %swap3A_154], %broadcast_in_dim3A_12 {strides = array<i32>} : memref<7x128xf32, #tpu.memory_space<vmem>>, vector<16xf32>,
    %swap3A_156 = arith.constant 4 : i32
    %swap3A_157 = arith.index_cast %swap3A_156 : i32 to index
    %swap3A_158 = arith.constant 64 : index
    %swap3A_159 = tpu.vector_load %arg7[%swap3A_157, %swap3A_158] {strides = array<i32>} : memref<7x128xf32, #tpu.memory_space<vmem>>, vector<16xf32>,
    tpu.vector_store %arg7[%swap3A_157, %swap3A_158], %broadcast_in_dim3A_12 {strides = array<i32>} : memref<7x128xf32, #tpu.memory_space<vmem>>, vector<16xf32>,
    %swap3A_160 = arith.constant 4 : i32
    %swap3A_161 = arith.index_cast %swap3A_160 : i32 to index
    %swap3A_162 = arith.constant 80 : index
    %swap3A_163 = tpu.vector_load %arg7[%swap3A_161, %swap3A_162] {strides = array<i32>} : memref<7x128xf32, #tpu.memory_space<vmem>>, vector<16xf32>,
    tpu.vector_store %arg7[%swap3A_161, %swap3A_162], %broadcast_in_dim3A_12 {strides = array<i32>} : memref<7x128xf32, #tpu.memory_space<vmem>>, vector<16xf32>,
    %swap3A_164 = arith.constant 4 : i32
    %swap3A_165 = arith.index_cast %swap3A_164 : i32 to index
    %swap3A_166 = arith.constant 96 : index
    %swap3A_167 = tpu.vector_load %arg7[%swap3A_165, %swap3A_166] {strides = array<i32>} : memref<7x128xf32, #tpu.memory_space<vmem>>, vector<16xf32>,
    tpu.vector_store %arg7[%swap3A_165, %swap3A_166], %broadcast_in_dim3A_12 {strides = array<i32>} : memref<7x128xf32, #tpu.memory_space<vmem>>, vector<16xf32>,
    %swap3A_168 = arith.constant 4 : i32
    %swap3A_169 = arith.index_cast %swap3A_168 : i32 to index
    %swap3A_170 = arith.constant 112 : index
    %swap3A_171 = tpu.vector_load %arg7[%swap3A_169, %swap3A_170] {strides = array<i32>} : memref<7x128xf32, #tpu.memory_space<vmem>>, vector<16xf32>,
    tpu.vector_store %arg7[%swap3A_169, %swap3A_170], %broadcast_in_dim3A_12 {strides = array<i32>} : memref<7x128xf32, #tpu.memory_space<vmem>>, vector<16xf32>,
    %swap3A_172 = arith.constant 5 : i32
    %swap3A_173 = arith.index_cast %swap3A_172 : i32 to index
    %swap3A_174 = arith.constant 0 : index
    %swap3A_175 = tpu.vector_load %arg7[%swap3A_173, %swap3A_174] {strides = array<i32>} : memref<7x128xf32, #tpu.memory_space<vmem>>, vector<16xf32>,
    tpu.vector_store %arg7[%swap3A_173, %swap3A_174], %broadcast_in_dim3A_12 {strides = array<i32>} : memref<7x128xf32, #tpu.memory_space<vmem>>, vector<16xf32>,
    %swap3A_176 = arith.constant 5 : i32
    %swap3A_177 = arith.index_cast %swap3A_176 : i32 to index
    %swap3A_178 = arith.constant 16 : index
    %swap3A_179 = tpu.vector_load %arg7[%swap3A_177, %swap3A_178] {strides = array<i32>} : memref<7x128xf32, #tpu.memory_space<vmem>>, vector<16xf32>,
    tpu.vector_store %arg7[%swap3A_177, %swap3A_178], %broadcast_in_dim3A_12 {strides = array<i32>} : memref<7x128xf32, #tpu.memory_space<vmem>>, vector<16xf32>,
    %swap3A_180 = arith.constant 5 : i32
    %swap3A_181 = arith.index_cast %swap3A_180 : i32 to index
    %swap3A_182 = arith.constant 32 : index
    %swap3A_183 = tpu.vector_load %arg7[%swap3A_181, %swap3A_182] {strides = array<i32>} : memref<7x128xf32, #tpu.memory_space<vmem>>, vector<16xf32>,
    tpu.vector_store %arg7[%swap3A_181, %swap3A_182], %broadcast_in_dim3A_12 {strides = array<i32>} : memref<7x128xf32, #tpu.memory_space<vmem>>, vector<16xf32>,
    %swap3A_184 = arith.constant 5 : i32
    %swap3A_185 = arith.index_cast %swap3A_184 : i32 to index
    %swap3A_186 = arith.constant 48 : index
    %swap3A_187 = tpu.vector_load %arg7[%swap3A_185, %swap3A_186] {strides = array<i32>} : memref<7x128xf32, #tpu.memory_space<vmem>>, vector<16xf32>,
    tpu.vector_store %arg7[%swap3A_185, %swap3A_186], %broadcast_in_dim3A_12 {strides = array<i32>} : memref<7x128xf32, #tpu.memory_space<vmem>>, vector<16xf32>,
    %swap3A_188 = arith.constant 5 : i32
    %swap3A_189 = arith.index_cast %swap3A_188 : i32 to index
    %swap3A_190 = arith.constant 64 : index
    %swap3A_191 = tpu.vector_load %arg7[%swap3A_189, %swap3A_190] {strides = array<i32>} : memref<7x128xf32, #tpu.memory_space<vmem>>, vector<16xf32>,
    tpu.vector_store %arg7[%swap3A_189, %swap3A_190], %broadcast_in_dim3A_12 {strides = array<i32>} : memref<7x128xf32, #tpu.memory_space<vmem>>, vector<16xf32>,
    %swap3A_192 = arith.constant 5 : i32
    %swap3A_193 = arith.index_cast %swap3A_192 : i32 to index
    %swap3A_194 = arith.constant 80 : index
    %swap3A_195 = tpu.vector_load %arg7[%swap3A_193, %swap3A_194] {strides = array<i32>} : memref<7x128xf32, #tpu.memory_space<vmem>>, vector<16xf32>,
    tpu.vector_store %arg7[%swap3A_193, %swap3A_194], %broadcast_in_dim3A_12 {strides = array<i32>} : memref<7x128xf32, #tpu.memory_space<vmem>>, vector<16xf32>,
    %swap3A_196 = arith.constant 5 : i32
    %swap3A_197 = arith.index_cast %swap3A_196 : i32 to index
    %swap3A_198 = arith.constant 96 : index
    %swap3A_199 = tpu.vector_load %arg7[%swap3A_197, %swap3A_198] {strides = array<i32>} : memref<7x128xf32, #tpu.memory_space<vmem>>, vector<16xf32>,
    tpu.vector_store %arg7[%swap3A_197, %swap3A_198], %broadcast_in_dim3A_12 {strides = array<i32>} : memref<7x128xf32, #tpu.memory_space<vmem>>, vector<16xf32>,
    %swap3A_200 = arith.constant 5 : i32
    %swap3A_201 = arith.index_cast %swap3A_200 : i32 to index
    %swap3A_202 = arith.constant 112 : index
    %swap3A_203 = tpu.vector_load %arg7[%swap3A_201, %swap3A_202] {strides = array<i32>} : memref<7x128xf32, #tpu.memory_space<vmem>>, vector<16xf32>,
    tpu.vector_store %arg7[%swap3A_201, %swap3A_202], %broadcast_in_dim3A_12 {strides = array<i32>} : memref<7x128xf32, #tpu.memory_space<vmem>>, vector<16xf32>,
    %swap3A_204 = arith.constant 6 : i32
    %swap3A_205 = arith.index_cast %swap3A_204 : i32 to index
    %swap3A_206 = arith.constant 0 : index
    %swap3A_207 = tpu.vector_load %arg7[%swap3A_205, %swap3A_206] {strides = array<i32>} : memref<7x128xf32, #tpu.memory_space<vmem>>, vector<16xf32>,
    tpu.vector_store %arg7[%swap3A_205, %swap3A_206], %broadcast_in_dim3A_12 {strides = array<i32>} : memref<7x128xf32, #tpu.memory_space<vmem>>, vector<16xf32>,
    %swap3A_208 = arith.constant 6 : i32
    %swap3A_209 = arith.index_cast %swap3A_208 : i32 to index
    %swap3A_210 = arith.constant 16 : index
    %swap3A_211 = tpu.vector_load %arg7[%swap3A_209, %swap3A_210] {strides = array<i32>} : memref<7x128xf32, #tpu.memory_space<vmem>>, vector<16xf32>,
    tpu.vector_store %arg7[%swap3A_209, %swap3A_210], %broadcast_in_dim3A_12 {strides = array<i32>} : memref<7x128xf32, #tpu.memory_space<vmem>>, vector<16xf32>,
    %swap3A_212 = arith.constant 6 : i32
    %swap3A_213 = arith.index_cast %swap3A_212 : i32 to index
    %swap3A_214 = arith.constant 32 : index
    %swap3A_215 = tpu.vector_load %arg7[%swap3A_213, %swap3A_214] {strides = array<i32>} : memref<7x128xf32, #tpu.memory_space<vmem>>, vector<16xf32>,
    tpu.vector_store %arg7[%swap3A_213, %swap3A_214], %broadcast_in_dim3A_12 {strides = array<i32>} : memref<7x128xf32, #tpu.memory_space<vmem>>, vector<16xf32>,
    %swap3A_216 = arith.constant 6 : i32
    %swap3A_217 = arith.index_cast %swap3A_216 : i32 to index
    %swap3A_218 = arith.constant 48 : index
    %swap3A_219 = tpu.vector_load %arg7[%swap3A_217, %swap3A_218] {strides = array<i32>} : memref<7x128xf32, #tpu.memory_space<vmem>>, vector<16xf32>,
    tpu.vector_store %arg7[%swap3A_217, %swap3A_218], %broadcast_in_dim3A_12 {strides = array<i32>} : memref<7x128xf32, #tpu.memory_space<vmem>>, vector<16xf32>,
    %swap3A_220 = arith.constant 6 : i32
    %swap3A_221 = arith.index_cast %swap3A_220 : i32 to index
    %swap3A_222 = arith.constant 64 : index
    %swap3A_223 = tpu.vector_load %arg7[%swap3A_221, %swap3A_222] {strides = array<i32>} : memref<7x128xf32, #tpu.memory_space<vmem>>, vector<16xf32>,
    tpu.vector_store %arg7[%swap3A_221, %swap3A_222], %broadcast_in_dim3A_12 {strides = array<i32>} : memref<7x128xf32, #tpu.memory_space<vmem>>, vector<16xf32>,
    %swap3A_224 = arith.constant 6 : i32
    %swap3A_225 = arith.index_cast %swap3A_224 : i32 to index
    %swap3A_226 = arith.constant 80 : index
    %swap3A_227 = tpu.vector_load %arg7[%swap3A_225, %swap3A_226] {strides = array<i32>} : memref<7x128xf32, #tpu.memory_space<vmem>>, vector<16xf32>,
    tpu.vector_store %arg7[%swap3A_225, %swap3A_226], %broadcast_in_dim3A_12 {strides = array<i32>} : memref<7x128xf32, #tpu.memory_space<vmem>>, vector<16xf32>,
    %swap3A_228 = arith.constant 6 : i32
    %swap3A_229 = arith.index_cast %swap3A_228 : i32 to index
    %swap3A_230 = arith.constant 96 : index
    %swap3A_231 = tpu.vector_load %arg7[%swap3A_229, %swap3A_230] {strides = array<i32>} : memref<7x128xf32, #tpu.memory_space<vmem>>, vector<16xf32>,
    tpu.vector_store %arg7[%swap3A_229, %swap3A_230], %broadcast_in_dim3A_12 {strides = array<i32>} : memref<7x128xf32, #tpu.memory_space<vmem>>, vector<16xf32>,
    %swap3A_232 = arith.constant 6 : i32
    %swap3A_233 = arith.index_cast %swap3A_232 : i32 to index
    %swap3A_234 = arith.constant 112 : index
    %swap3A_235 = tpu.vector_load %arg7[%swap3A_233, %swap3A_234] {strides = array<i32>} : memref<7x128xf32, #tpu.memory_space<vmem>>, vector<16xf32>,
    tpu.vector_store %arg7[%swap3A_233, %swap3A_234], %broadcast_in_dim3A_12 {strides = array<i32>} : memref<7x128xf32, #tpu.memory_space<vmem>>, vector<16xf32>,
    %mul3A_236 = arith.constant 7 : i32
    %mul3A_237 = arith.muli %arg1, %mul3A_236 : i32
    "tpu.region"() ({
      %run_scoped3A = tpu.sem_alloc : memref<!tpu.dma_semaphore, #tpu.memory_space<semaphore_mem>>
      %dma_start3A_328 = arith.constant 0 : i32
      %dma_start3A_329 = arith.constant 0 : i32
      %dma_start3A_330 = tpu.memref_slice %arg7[%dma_start3A_328, %dma_start3A_329] : memref<7x128xf32, #tpu.memory_space<vmem>> -> memref<7x128xf32, #tpu.memory_space<vmem>>
      %dma_start3A_331 = arith.constant 0 : i32
      %dma_start3A_332 = tpu.memref_slice %arg8[%mul3A_237, %dma_start3A_331] : memref<112x128xf32, #tpu.memory_space<vmem_shared>> -> memref<7x128xf32, #tpu.memory_space<vmem_shared>>
      %dma_start3A_333 = arith.constant 0 : i32
      %dma_start3A_334 = tpu.memref_slice %arg8[%mul3A_237, %dma_start3A_333] : memref<112x128xf32, #tpu.memory_space<vmem_shared>> -> memref<7x128xf32, #tpu.memory_space<vmem_shared>>
      %dma_start3A_335 = arith.constant 0 : i32
      %dma_start3A_336 = arith.constant 0 : i32
      %dma_start3A_337 = tpu.memref_slice %arg7[%dma_start3A_335, %dma_start3A_336] : memref<7x128xf32, #tpu.memory_space<vmem>> -> memref<7x128xf32, #tpu.memory_space<vmem>>
      tpu.enqueue_dma source(%dma_start3A_337 : memref<7x128xf32, #tpu.memory_space<vmem>>) target(%dma_start3A_334 : memref<7x128xf32, #tpu.memory_space<vmem_shared>>) target_semaphore(%run_scoped3A : memref<!tpu.dma_semaphore, #tpu.memory_space<semaphore_mem>>)
      %dma_wait3A_338 = arith.constant 0 : i32
      %dma_wait3A_339 = arith.constant 0 : i32
      %dma_wait3A_340 = tpu.memref_slice %arg7[%dma_wait3A_338, %dma_wait3A_339] : memref<7x128xf32, #tpu.memory_space<vmem>> -> memref<7x128xf32, #tpu.memory_space<vmem>>
      %dma_wait3A_341 = arith.constant 0 : i32
      %dma_wait3A_342 = tpu.memref_slice %arg8[%mul3A_237, %dma_wait3A_341] : memref<112x128xf32, #tpu.memory_space<vmem_shared>> -> memref<7x128xf32, #tpu.memory_space<vmem_shared>>
      %dma_wait3A_343 = arith.constant 0 : i32
      %dma_wait3A_344 = tpu.memref_slice %arg8[%mul3A_237, %dma_wait3A_343] : memref<112x128xf32, #tpu.memory_space<vmem_shared>> -> memref<7x128xf32, #tpu.memory_space<vmem_shared>>
      %dma_wait3A_345 = arith.constant 0 : i32
      %dma_wait3A_346 = arith.constant 0 : i32
      %dma_wait3A_347 = tpu.memref_slice %arg7[%dma_wait3A_345, %dma_wait3A_346] : memref<7x128xf32, #tpu.memory_space<vmem>> -> memref<7x128xf32, #tpu.memory_space<vmem>>
      tpu.wait_dma2 semaphore(%run_scoped3A : memref<!tpu.dma_semaphore, #tpu.memory_space<semaphore_mem>>) src(%dma_wait3A_347 : memref<7x128xf32, #tpu.memory_space<vmem>>) dst(%dma_wait3A_344 : memref<7x128xf32, #tpu.memory_space<vmem_shared>>)
      tpu.yield
    }) : () -> ()
    %barrier3A = arith.constant 0 : index
    tpu.barrier barrier_id(%barrier3A)
    %dma_wait3A = arith.constant 0 : i32
    %dma_wait3A_238 = tpu.memref_slice %arg2[%mul3A_2, %dma_wait3A] : memref<16384x128xf32, #tpu.memory_space<hbm>> -> memref<512x128xf32, #tpu.memory_space<hbm>>
    %dma_wait3A_239 = arith.constant 0 : i32
    %dma_wait3A_240 = tpu.memref_slice %arg2[%mul3A_2, %dma_wait3A_239] : memref<16384x128xf32, #tpu.memory_space<hbm>> -> memref<512x128xf32, #tpu.memory_space<hbm>>
    tpu.wait_dma2 semaphore(%arg9 : memref<!tpu.dma_semaphore, #tpu.memory_space<semaphore_mem>>) src(%dma_wait3A_240 : memref<512x128xf32, #tpu.memory_space<hbm>>) dst(%arg5 : memref<512x128xf32, #tpu.memory_space<vmem>>)
    %dma_wait3A_241 = arith.constant 0 : i32
    %dma_wait3A_242 = tpu.memref_slice %arg3[%mul3A_7, %dma_wait3A_241] : memref<128x128xi32, #tpu.memory_space<hbm>> -> memref<4x128xi32, #tpu.memory_space<hbm>>
    %dma_wait3A_243 = arith.constant 0 : i32
    %dma_wait3A_244 = tpu.memref_slice %arg3[%mul3A_7, %dma_wait3A_243] : memref<128x128xi32, #tpu.memory_space<hbm>> -> memref<4x128xi32, #tpu.memory_space<hbm>>
    tpu.wait_dma2 semaphore(%arg9 : memref<!tpu.dma_semaphore, #tpu.memory_space<semaphore_mem>>) src(%dma_wait3A_244 : memref<4x128xi32, #tpu.memory_space<hbm>>) dst(%arg6 : memref<4x128xi32, #tpu.memory_space<vmem>>)
    %dma_start3A_245 = arith.constant 0 : i32
    %dma_start3A_246 = arith.constant 0 : i32
    %dma_start3A_247 = arith.constant 0 : i32
    %dma_start3A_248 = tpu.memref_slice %arg5[%dma_start3A_246, %dma_start3A_247] : memref<512x128xf32, #tpu.memory_space<vmem>> -> memref<128x128xf32, #tpu.memory_space<vmem>>
    %dma_start3A_249 = arith.constant 0 : i32
    %dma_start3A_250 = tpu.memref_slice %arg6[%dma_start3A_245, %dma_start3A_249] : memref<4x128xi32, #tpu.memory_space<vmem>> -> memref<1x128xi32, #tpu.memory_space<vmem>>
    %dma_start3A_251 = tpu.memref_squeeze %dma_start3A_250 : memref<1x128xi32, #tpu.memory_space<vmem>> -> memref<128xi32, #tpu.memory_space<vmem>>
    %dma_start3A_252 = arith.constant 0 : i32
    %dma_start3A_253 = arith.constant 0 : i32
    %dma_start3A_254 = tpu.memref_slice %arg8[%dma_start3A_252, %dma_start3A_253] : memref<112x128xf32, #tpu.memory_space<vmem_shared>> -> memref<112x128xf32, #tpu.memory_space<vmem_shared>>
    tpu.enqueue_indirect_dma source(%dma_start3A_248 : memref<128x128xf32, #tpu.memory_space<vmem>>) target(%dma_start3A_254 : memref<112x128xf32, #tpu.memory_space<vmem_shared>>) offsets(%dma_start3A_251 : memref<128xi32, #tpu.memory_space<vmem>>) semaphore(%arg9 : memref<!tpu.dma_semaphore, #tpu.memory_space<semaphore_mem>>) {add = true}
    %dma_start3A_255 = arith.constant 1 : i32
    %dma_start3A_256 = arith.constant 128 : i32
    %dma_start3A_257 = arith.constant 0 : i32
    %dma_start3A_258 = tpu.memref_slice %arg5[%dma_start3A_256, %dma_start3A_257] : memref<512x128xf32, #tpu.memory_space<vmem>> -> memref<128x128xf32, #tpu.memory_space<vmem>>
    %dma_start3A_259 = arith.constant 0 : i32
    %dma_start3A_260 = tpu.memref_slice %arg6[%dma_start3A_255, %dma_start3A_259] : memref<4x128xi32, #tpu.memory_space<vmem>> -> memref<1x128xi32, #tpu.memory_space<vmem>>
    %dma_start3A_261 = tpu.memref_squeeze %dma_start3A_260 : memref<1x128xi32, #tpu.memory_space<vmem>> -> memref<128xi32, #tpu.memory_space<vmem>>
    %dma_start3A_262 = arith.constant 0 : i32
    %dma_start3A_263 = arith.constant 0 : i32
    %dma_start3A_264 = tpu.memref_slice %arg8[%dma_start3A_262, %dma_start3A_263] : memref<112x128xf32, #tpu.memory_space<vmem_shared>> -> memref<112x128xf32, #tpu.memory_space<vmem_shared>>
    tpu.enqueue_indirect_dma source(%dma_start3A_258 : memref<128x128xf32, #tpu.memory_space<vmem>>) target(%dma_start3A_264 : memref<112x128xf32, #tpu.memory_space<vmem_shared>>) offsets(%dma_start3A_261 : memref<128xi32, #tpu.memory_space<vmem>>) semaphore(%arg9 : memref<!tpu.dma_semaphore, #tpu.memory_space<semaphore_mem>>) {add = true}
    %dma_start3A_265 = arith.constant 2 : i32
    %dma_start3A_266 = arith.constant 256 : i32
    %dma_start3A_267 = arith.constant 0 : i32
    %dma_start3A_268 = tpu.memref_slice %arg5[%dma_start3A_266, %dma_start3A_267] : memref<512x128xf32, #tpu.memory_space<vmem>> -> memref<128x128xf32, #tpu.memory_space<vmem>>
    %dma_start3A_269 = arith.constant 0 : i32
    %dma_start3A_270 = tpu.memref_slice %arg6[%dma_start3A_265, %dma_start3A_269] : memref<4x128xi32, #tpu.memory_space<vmem>> -> memref<1x128xi32, #tpu.memory_space<vmem>>
    %dma_start3A_271 = tpu.memref_squeeze %dma_start3A_270 : memref<1x128xi32, #tpu.memory_space<vmem>> -> memref<128xi32, #tpu.memory_space<vmem>>
    %dma_start3A_272 = arith.constant 0 : i32
    %dma_start3A_273 = arith.constant 0 : i32
    %dma_start3A_274 = tpu.memref_slice %arg8[%dma_start3A_272, %dma_start3A_273] : memref<112x128xf32, #tpu.memory_space<vmem_shared>> -> memref<112x128xf32, #tpu.memory_space<vmem_shared>>
    tpu.enqueue_indirect_dma source(%dma_start3A_268 : memref<128x128xf32, #tpu.memory_space<vmem>>) target(%dma_start3A_274 : memref<112x128xf32, #tpu.memory_space<vmem_shared>>) offsets(%dma_start3A_271 : memref<128xi32, #tpu.memory_space<vmem>>) semaphore(%arg9 : memref<!tpu.dma_semaphore, #tpu.memory_space<semaphore_mem>>) {add = true}
    %dma_start3A_275 = arith.constant 3 : i32
    %dma_start3A_276 = arith.constant 384 : i32
    %dma_start3A_277 = arith.constant 0 : i32
    %dma_start3A_278 = tpu.memref_slice %arg5[%dma_start3A_276, %dma_start3A_277] : memref<512x128xf32, #tpu.memory_space<vmem>> -> memref<128x128xf32, #tpu.memory_space<vmem>>
    %dma_start3A_279 = arith.constant 0 : i32
    %dma_start3A_280 = tpu.memref_slice %arg6[%dma_start3A_275, %dma_start3A_279] : memref<4x128xi32, #tpu.memory_space<vmem>> -> memref<1x128xi32, #tpu.memory_space<vmem>>
    %dma_start3A_281 = tpu.memref_squeeze %dma_start3A_280 : memref<1x128xi32, #tpu.memory_space<vmem>> -> memref<128xi32, #tpu.memory_space<vmem>>
    %dma_start3A_282 = arith.constant 0 : i32
    %dma_start3A_283 = arith.constant 0 : i32
    %dma_start3A_284 = tpu.memref_slice %arg8[%dma_start3A_282, %dma_start3A_283] : memref<112x128xf32, #tpu.memory_space<vmem_shared>> -> memref<112x128xf32, #tpu.memory_space<vmem_shared>>
    tpu.enqueue_indirect_dma source(%dma_start3A_278 : memref<128x128xf32, #tpu.memory_space<vmem>>) target(%dma_start3A_284 : memref<112x128xf32, #tpu.memory_space<vmem_shared>>) offsets(%dma_start3A_281 : memref<128xi32, #tpu.memory_space<vmem>>) semaphore(%arg9 : memref<!tpu.dma_semaphore, #tpu.memory_space<semaphore_mem>>) {add = true}
    %dma_wait3A_285 = arith.constant 0 : i32
    %dma_wait3A_286 = arith.constant 0 : i32
    %dma_wait3A_287 = arith.constant 0 : i32
    %dma_wait3A_288 = tpu.memref_slice %arg5[%dma_wait3A_286, %dma_wait3A_287] : memref<512x128xf32, #tpu.memory_space<vmem>> -> memref<128x128xf32, #tpu.memory_space<vmem>>
    %dma_wait3A_289 = arith.constant 0 : i32
    %dma_wait3A_290 = tpu.memref_slice %arg6[%dma_wait3A_285, %dma_wait3A_289] : memref<4x128xi32, #tpu.memory_space<vmem>> -> memref<1x128xi32, #tpu.memory_space<vmem>>
    %dma_wait3A_291 = tpu.memref_squeeze %dma_wait3A_290 : memref<1x128xi32, #tpu.memory_space<vmem>> -> memref<128xi32, #tpu.memory_space<vmem>>
    %dma_wait3A_292 = arith.constant 0 : i32
    %dma_wait3A_293 = arith.constant 0 : i32
    %dma_wait3A_294 = tpu.memref_slice %arg8[%dma_wait3A_292, %dma_wait3A_293] : memref<112x128xf32, #tpu.memory_space<vmem_shared>> -> memref<112x128xf32, #tpu.memory_space<vmem_shared>>
    tpu.wait_indirect_dma semaphore(%arg9 : memref<!tpu.dma_semaphore, #tpu.memory_space<semaphore_mem>>) src(%dma_wait3A_288 : memref<128x128xf32, #tpu.memory_space<vmem>>) dst(%dma_wait3A_294 : memref<112x128xf32, #tpu.memory_space<vmem_shared>>)
    %dma_wait3A_295 = arith.constant 1 : i32
    %dma_wait3A_296 = arith.constant 128 : i32
    %dma_wait3A_297 = arith.constant 0 : i32
    %dma_wait3A_298 = tpu.memref_slice %arg5[%dma_wait3A_296, %dma_wait3A_297] : memref<512x128xf32, #tpu.memory_space<vmem>> -> memref<128x128xf32, #tpu.memory_space<vmem>>
    %dma_wait3A_299 = arith.constant 0 : i32
    %dma_wait3A_300 = tpu.memref_slice %arg6[%dma_wait3A_295, %dma_wait3A_299] : memref<4x128xi32, #tpu.memory_space<vmem>> -> memref<1x128xi32, #tpu.memory_space<vmem>>
    %dma_wait3A_301 = tpu.memref_squeeze %dma_wait3A_300 : memref<1x128xi32, #tpu.memory_space<vmem>> -> memref<128xi32, #tpu.memory_space<vmem>>
    %dma_wait3A_302 = arith.constant 0 : i32
    %dma_wait3A_303 = arith.constant 0 : i32
    %dma_wait3A_304 = tpu.memref_slice %arg8[%dma_wait3A_302, %dma_wait3A_303] : memref<112x128xf32, #tpu.memory_space<vmem_shared>> -> memref<112x128xf32, #tpu.memory_space<vmem_shared>>
    tpu.wait_indirect_dma semaphore(%arg9 : memref<!tpu.dma_semaphore, #tpu.memory_space<semaphore_mem>>) src(%dma_wait3A_298 : memref<128x128xf32, #tpu.memory_space<vmem>>) dst(%dma_wait3A_304 : memref<112x128xf32, #tpu.memory_space<vmem_shared>>)
    %dma_wait3A_305 = arith.constant 2 : i32
    %dma_wait3A_306 = arith.constant 256 : i32
    %dma_wait3A_307 = arith.constant 0 : i32
    %dma_wait3A_308 = tpu.memref_slice %arg5[%dma_wait3A_306, %dma_wait3A_307] : memref<512x128xf32, #tpu.memory_space<vmem>> -> memref<128x128xf32, #tpu.memory_space<vmem>>
    %dma_wait3A_309 = arith.constant 0 : i32
    %dma_wait3A_310 = tpu.memref_slice %arg6[%dma_wait3A_305, %dma_wait3A_309] : memref<4x128xi32, #tpu.memory_space<vmem>> -> memref<1x128xi32, #tpu.memory_space<vmem>>
    %dma_wait3A_311 = tpu.memref_squeeze %dma_wait3A_310 : memref<1x128xi32, #tpu.memory_space<vmem>> -> memref<128xi32, #tpu.memory_space<vmem>>
    %dma_wait3A_312 = arith.constant 0 : i32
    %dma_wait3A_313 = arith.constant 0 : i32
    %dma_wait3A_314 = tpu.memref_slice %arg8[%dma_wait3A_312, %dma_wait3A_313] : memref<112x128xf32, #tpu.memory_space<vmem_shared>> -> memref<112x128xf32, #tpu.memory_space<vmem_shared>>
    tpu.wait_indirect_dma semaphore(%arg9 : memref<!tpu.dma_semaphore, #tpu.memory_space<semaphore_mem>>) src(%dma_wait3A_308 : memref<128x128xf32, #tpu.memory_space<vmem>>) dst(%dma_wait3A_314 : memref<112x128xf32, #tpu.memory_space<vmem_shared>>)
    %dma_wait3A_315 = arith.constant 3 : i32
    %dma_wait3A_316 = arith.constant 384 : i32
    %dma_wait3A_317 = arith.constant 0 : i32
    %dma_wait3A_318 = tpu.memref_slice %arg5[%dma_wait3A_316, %dma_wait3A_317] : memref<512x128xf32, #tpu.memory_space<vmem>> -> memref<128x128xf32, #tpu.memory_space<vmem>>
    %dma_wait3A_319 = arith.constant 0 : i32
    %dma_wait3A_320 = tpu.memref_slice %arg6[%dma_wait3A_315, %dma_wait3A_319] : memref<4x128xi32, #tpu.memory_space<vmem>> -> memref<1x128xi32, #tpu.memory_space<vmem>>
    %dma_wait3A_321 = tpu.memref_squeeze %dma_wait3A_320 : memref<1x128xi32, #tpu.memory_space<vmem>> -> memref<128xi32, #tpu.memory_space<vmem>>
    %dma_wait3A_322 = arith.constant 0 : i32
    %dma_wait3A_323 = arith.constant 0 : i32
    %dma_wait3A_324 = tpu.memref_slice %arg8[%dma_wait3A_322, %dma_wait3A_323] : memref<112x128xf32, #tpu.memory_space<vmem_shared>> -> memref<112x128xf32, #tpu.memory_space<vmem_shared>>
    tpu.wait_indirect_dma semaphore(%arg9 : memref<!tpu.dma_semaphore, #tpu.memory_space<semaphore_mem>>) src(%dma_wait3A_318 : memref<128x128xf32, #tpu.memory_space<vmem>>) dst(%dma_wait3A_324 : memref<112x128xf32, #tpu.memory_space<vmem_shared>>)
    %barrier3A_325 = arith.constant 0 : index
    tpu.barrier barrier_id(%barrier3A_325)
    %eq3A = arith.constant 0 : i32
    %eq3A_326 = arith.cmpi eq, %arg1, %eq3A : i32
    %convert_element_type3A = arith.extui %eq3A_326 : i1 to i32
    %cond3A = arith.constant 0 : i32
    %cond3A_327 = arith.cmpi ne, %convert_element_type3A, %cond3A : i32
    scf.if %cond3A_327 {
      "tpu.region"() ({
        %run_scoped3A = tpu.sem_alloc : memref<!tpu.dma_semaphore, #tpu.memory_space<semaphore_mem>>
        %dma_start3A_328 = arith.constant 0 : i32
        %dma_start3A_329 = arith.constant 0 : i32
        %dma_start3A_330 = tpu.memref_slice %arg4[%arg0, %dma_start3A_328, %dma_start3A_329] : memref<2x112x128xf32, #tpu.memory_space<hbm>> -> memref<1x112x128xf32, #tpu.memory_space<hbm>>
        %dma_start3A_331 = tpu.memref_squeeze %dma_start3A_330 : memref<1x112x128xf32, #tpu.memory_space<hbm>> -> memref<112x128xf32, #tpu.memory_space<hbm>>
        tpu.enqueue_dma source(%arg8 : memref<112x128xf32, #tpu.memory_space<vmem_shared>>) target(%dma_start3A_331 : memref<112x128xf32, #tpu.memory_space<hbm>>) target_semaphore(%run_scoped3A : memref<!tpu.dma_semaphore, #tpu.memory_space<semaphore_mem>>)
        %dma_wait3A_332 = arith.constant 0 : i32
        %dma_wait3A_333 = arith.constant 0 : i32
        %dma_wait3A_334 = tpu.memref_slice %arg4[%arg0, %dma_wait3A_332, %dma_wait3A_333] : memref<2x112x128xf32, #tpu.memory_space<hbm>> -> memref<1x112x128xf32, #tpu.memory_space<hbm>>
        %dma_wait3A_335 = tpu.memref_squeeze %dma_wait3A_334 : memref<1x112x128xf32, #tpu.memory_space<hbm>> -> memref<112x128xf32, #tpu.memory_space<hbm>>
        tpu.wait_dma2 semaphore(%run_scoped3A : memref<!tpu.dma_semaphore, #tpu.memory_space<semaphore_mem>>) src(%arg8 : memref<112x128xf32, #tpu.memory_space<vmem_shared>>) dst(%dma_wait3A_335 : memref<112x128xf32, #tpu.memory_space<hbm>>)
        tpu.yield
      }) : () -> ()
    } else {
    }
    return
  }
}

module attributes {stable_mosaic.version = 14 : i64} {
  func.func @_fin_body(%arg0: i32, %arg1: memref<2x112x128xf32, #tpu.memory_space<vmem>>, %arg2: memref<1x1x2048xi32, #tpu.memory_space<vmem>>, %arg3: memref<2048x128xf32, #tpu.memory_space<vmem>>, %arg4: memref<3x128xf32, #tpu.memory_space<vmem>>, %arg5: memref<1x1xf32, #tpu.memory_space<vmem>>, %arg6: memref<128x128xf32, #tpu.memory_space<vmem>>, %arg7: memref<3x128xf32, #tpu.memory_space<vmem>>, %arg8: memref<4xf32, #tpu.memory_space<smem>>) attributes {dimension_semantics = [#tpu.dimension_semantics<arbitrary>], iteration_bounds = array<i64: 9>, scalar_prefetch = 0 : i64, scratch_operands = 3 : i64, tpu.core_type = #tpu.core_type<tc>, window_params = [{pipeline_mode = #tpu.pipeline_mode<synchronous>, transform_indices = @transform_0, window_bounds = array<i64: 2, 112, 128>}, {transform_indices = @transform_1, window_bounds = array<i64: 1, 1, 2048>}, {transform_indices = @transform_2, window_bounds = array<i64: 2048, 128>}, {pipeline_mode = #tpu.pipeline_mode<synchronous>, transform_indices = @transform_3, window_bounds = array<i64: 3, 128>}, {pipeline_mode = #tpu.pipeline_mode<synchronous>, transform_indices = @transform_4, window_bounds = array<i64: 1, 1>}]} {
    %eq3A = arith.constant 0 : i32
    %eq3A_0 = arith.cmpi eq, %arg0, %eq3A : i32
    %convert_element_type3A = arith.extui %eq3A_0 : i1 to i32
    %cond3A = arith.constant 0 : i32
    %cond3A_1 = arith.cmpi ne, %convert_element_type3A, %cond3A : i32
    scf.if %cond3A_1 {
      %get3A = arith.constant 0 : index
      %get3A_11 = arith.constant 0 : index
      %get3A_12 = arith.constant 0 : index
      %get3A_13 = vector.load %arg1[%get3A, %get3A_11, %get3A_12] : memref<2x112x128xf32, #tpu.memory_space<vmem>>, vector<1x100x128xf32>
      %get3A_14 = vector.shape_cast %get3A_13 : vector<1x100x128xf32> to vector<100x128xf32>
      %get3A_15 = arith.constant 1 : index
      %get3A_16 = arith.constant 0 : index
      %get3A_17 = arith.constant 0 : index
      %get3A_18 = vector.load %arg1[%get3A_15, %get3A_16, %get3A_17] : memref<2x112x128xf32, #tpu.memory_space<vmem>>, vector<1x100x128xf32>
      %get3A_19 = vector.shape_cast %get3A_18 : vector<1x100x128xf32> to vector<100x128xf32>
      %add3A = arith.addf %get3A_14, %get3A_19 : vector<100x128xf32>
      %get3A_20 = arith.constant 0 : index
      %get3A_21 = arith.constant 0 : index
      %get3A_22 = vector.load %arg4[%get3A_20, %get3A_21] : memref<3x128xf32, #tpu.memory_space<vmem>>, vector<1x100xf32>
      %get3A_23 = vector.shape_cast %get3A_22 : vector<1x100xf32> to vector<100xf32>
      %reduce_sum3A = arith.constant dense<0.000000e+00> : vector<128xf32>
      %reduce_sum3A_24 = vector.multi_reduction <add>, %add3A, %reduce_sum3A [0] : vector<100x128xf32> to vector<128xf32>
      %div3A = arith.constant 1.638400e+04 : f32
      %div3A_25 = vector.broadcast %div3A : f32 to vector<128xf32>
      %div3A_26 = arith.divf %reduce_sum3A_24, %div3A_25 : vector<128xf32>
      %gt3A_27 = arith.constant 0.000000e+00 : f32
      %gt3A_28 = vector.broadcast %gt3A_27 : f32 to vector<100xf32>
      %gt3A_29 = arith.cmpf ogt, %get3A_23, %gt3A_28 : vector<100xf32>
      %jit3A = arith.constant 1.000000e+00 : f32
      %broadcast_in_dim3A = vector.broadcast %jit3A : f32 to vector<100xf32>
      %select_n3A = arith.select %gt3A_29, %get3A_23, %broadcast_in_dim3A : vector<100xi1>, vector<100xf32>
      %broadcast_in_dim3A_30 = vector.shape_cast %select_n3A : vector<100xf32> to vector<100x1xf32>
      %div3A_31 = vector.broadcast %broadcast_in_dim3A_30 : vector<100x1xf32> to vector<100x128xf32>
      %div3A_32 = arith.divf %add3A, %div3A_31 : vector<100x128xf32>
      %mul3A = arith.mulf %div3A_26, %div3A_26 : vector<128xf32>
      %reduce_sum3A_33 = vector.shape_cast %mul3A : vector<128xf32> to vector<1x128xf32>
      %reduce_sum3A_34 = arith.constant dense<0.000000e+00> : vector<1xf32>
      %reduce_sum3A_35 = vector.multi_reduction <add>, %reduce_sum3A_33, %reduce_sum3A_34 [1] : vector<1x128xf32> to vector<1xf32>
      %reduce_sum3A_36 = vector.shape_cast %reduce_sum3A_35 : vector<1xf32> to vector<1x1xf32>
      %reduce_sum3A_37 = vector.extract %reduce_sum3A_36[0, 0] : f32 from vector<1x1xf32>
      %sqrt3A = math.sqrt %reduce_sum3A_37 : f32
      %mul3A_38 = arith.mulf %div3A_32, %div3A_32 : vector<100x128xf32>
      %reduce_sum3A_39 = arith.constant dense<0.000000e+00> : vector<100xf32>
      %reduce_sum3A_40 = vector.multi_reduction <add>, %mul3A_38, %reduce_sum3A_39 [1] : vector<100x128xf32> to vector<100xf32>
      %sqrt3A_41 = math.sqrt %reduce_sum3A_40 : vector<100xf32>
      %gt3A_42 = arith.constant 0.000000e+00 : f32
      %gt3A_43 = vector.broadcast %gt3A_42 : f32 to vector<100xf32>
      %gt3A_44 = arith.cmpf ogt, %sqrt3A_41, %gt3A_43 : vector<100xf32>
      %jit3A_45 = arith.constant 1.000000e+00 : f32
      %broadcast_in_dim3A_46 = vector.broadcast %jit3A_45 : f32 to vector<100xf32>
      %select_n3A_47 = arith.select %gt3A_44, %sqrt3A_41, %broadcast_in_dim3A_46 : vector<100xi1>, vector<100xf32>
      %broadcast_in_dim3A_48 = vector.shape_cast %div3A_26 : vector<128xf32> to vector<1x128xf32>
      %mul3A_49 = vector.broadcast %broadcast_in_dim3A_48 : vector<1x128xf32> to vector<100x128xf32>
      %mul3A_50 = arith.mulf %div3A_32, %mul3A_49 : vector<100x128xf32>
      %reduce_sum3A_51 = arith.constant dense<0.000000e+00> : vector<100xf32>
      %reduce_sum3A_52 = vector.multi_reduction <add>, %mul3A_50, %reduce_sum3A_51 [1] : vector<100x128xf32> to vector<100xf32>
      %div3A_53 = arith.divf %reduce_sum3A_52, %select_n3A_47 : vector<100xf32>
      %mul3A_54 = vector.broadcast %sqrt3A : f32 to vector<100xf32>
      %mul3A_55 = arith.mulf %div3A_53, %mul3A_54 : vector<100xf32>
      %sub3A = arith.constant 1.000000e+00 : f32
      %sub3A_56 = vector.broadcast %sub3A : f32 to vector<100xf32>
      %sub3A_57 = arith.subf %sub3A_56, %mul3A_55 : vector<100xf32>
      %div3A_58 = arith.constant 1.638400e+04 : f32
      %div3A_59 = vector.broadcast %div3A_58 : f32 to vector<100xf32>
      %div3A_60 = arith.divf %get3A_23, %div3A_59 : vector<100xf32>
      %mul3A_61 = arith.mulf %div3A_60, %sub3A_57 : vector<100xf32>
      %mul3A_62 = arith.mulf %mul3A_61, %sub3A_57 : vector<100xf32>
      %reduce_sum3A_63 = vector.shape_cast %mul3A_62 : vector<100xf32> to vector<1x100xf32>
      %reduce_sum3A_64 = arith.constant dense<0.000000e+00> : vector<1xf32>
      %reduce_sum3A_65 = vector.multi_reduction <add>, %reduce_sum3A_63, %reduce_sum3A_64 [1] : vector<1x100xf32> to vector<1xf32>
      %reduce_sum3A_66 = vector.shape_cast %reduce_sum3A_65 : vector<1xf32> to vector<1x1xf32>
      %reduce_sum3A_67 = vector.extract %reduce_sum3A_66[0, 0] : f32 from vector<1x1xf32>
      %swap3A = arith.constant 0 : index
      %swap3A_68 = memref.load %arg8[%swap3A] : memref<4xf32, #tpu.memory_space<smem>>
      memref.store %reduce_sum3A_67, %arg8[%swap3A] : memref<4xf32, #tpu.memory_space<smem>>
      %broadcast_in_dim3A_69 = vector.shape_cast %sqrt3A_41 : vector<100xf32> to vector<100x1xf32>
      %mul3A_70 = vector.broadcast %broadcast_in_dim3A_69 : vector<100x1xf32> to vector<100x128xf32>
      %mul3A_71 = arith.mulf %div3A_32, %mul3A_70 : vector<100x128xf32>
      %broadcast_in_dim3A_72 = arith.constant 0.000000e+00 : f32
      %broadcast_in_dim3A_73 = vector.broadcast %broadcast_in_dim3A_72 : f32 to vector<28x128xf32>
      %concatenate3A = tpu.concatenate %mul3A_71, %broadcast_in_dim3A_73 in 0 : vector<100x128xf32>, vector<28x128xf32> -> vector<128x128xf32>
      %swap3A_74 = arith.constant 0 : index
      %swap3A_75 = arith.constant 0 : index
      %swap3A_76 = vector.load %arg6[%swap3A_74, %swap3A_75] : memref<128x128xf32, #tpu.memory_space<vmem>>, vector<128x128xf32>
      tpu.vector_store %arg6[%swap3A_74, %swap3A_75], %concatenate3A {strides = array<i32>} : memref<128x128xf32, #tpu.memory_space<vmem>>, vector<128x128xf32>,
      %broadcast_in_dim3A_77 = arith.constant 0.000000e+00 : f32
      %broadcast_in_dim3A_78 = vector.broadcast %broadcast_in_dim3A_77 : f32 to vector<3x128xf32>
      %swap3A_79 = arith.constant 0 : index
      %swap3A_80 = arith.constant 0 : index
      %swap3A_81 = vector.load %arg7[%swap3A_79, %swap3A_80] : memref<3x128xf32, #tpu.memory_space<vmem>>, vector<3x128xf32>
      tpu.vector_store %arg7[%swap3A_79, %swap3A_80], %broadcast_in_dim3A_78 {strides = array<i32>} : memref<3x128xf32, #tpu.memory_space<vmem>>, vector<3x128xf32>,
    } else {
    }
    %gt3A = arith.constant 0 : i32
    %gt3A_2 = arith.cmpi sgt, %arg0, %gt3A : i32
    %convert_element_type3A_3 = arith.extui %gt3A_2 : i1 to i32
    %cond3A_4 = arith.constant 0 : i32
    %cond3A_5 = arith.cmpi ne, %convert_element_type3A_3, %cond3A_4 : i32
    scf.if %cond3A_5 {
      %get3A = arith.constant 0 : index
      %get3A_11 = arith.constant 0 : index
      %get3A_12 = vector.load %arg3[%get3A, %get3A_11] : memref<2048x128xf32, #tpu.memory_space<vmem>>, vector<2048x128xf32>
      %mul3A = arith.mulf %get3A_12, %get3A_12 : vector<2048x128xf32>
      %reduce_sum3A = arith.constant dense<0.000000e+00> : vector<2048xf32>
      %reduce_sum3A_13 = vector.multi_reduction <add>, %mul3A, %reduce_sum3A [1] : vector<2048x128xf32> to vector<2048xf32>
      %rsqrt3A = math.rsqrt %reduce_sum3A_13 : vector<2048xf32>
      %broadcast_in_dim3A = vector.shape_cast %rsqrt3A : vector<2048xf32> to vector<2048x1xf32>
      %mul3A_14 = vector.broadcast %broadcast_in_dim3A : vector<2048x1xf32> to vector<2048x128xf32>
      %mul3A_15 = arith.mulf %get3A_12, %mul3A_14 : vector<2048x128xf32>
      %get3A_16 = arith.constant 0 : index
      %get3A_17 = arith.constant 0 : index
      %get3A_18 = vector.load %arg6[%get3A_16, %get3A_17] : memref<128x128xf32, #tpu.memory_space<vmem>>, vector<128x128xf32>
      %dot_general3A = arith.constant dense<0.000000e+00> : vector<2048x128xf32>
      %dot_general3A_19 = tpu.matmul %mul3A_15, %get3A_18, %dot_general3A {dimension_numbers = #tpu.dot_dimension_numbers<[1], [1], [0], [0], [0, 0, 1, 0], [], []>, transpose_lhs_hint = false} : vector<2048x128xf32>, vector<128x128xf32>, vector<2048x128xf32> -> vector<2048x128xf32>
      %get3A_20 = arith.constant 0 : index
      %get3A_21 = arith.constant 0 : index
      %get3A_22 = vector.load %arg7[%get3A_20, %get3A_21] : memref<3x128xf32, #tpu.memory_space<vmem>>, vector<3x128xf32>
      %get3A_23 = arith.constant 0 : index
      %get3A_24 = arith.constant 0 : index
      %get3A_25 = arith.constant 0 : index
      %get3A_26 = vector.load %arg2[%get3A_23, %get3A_24, %get3A_25] : memref<1x1x2048xi32, #tpu.memory_space<vmem>>, vector<1x1x2048xi32>
      %get3A_27 = vector.shape_cast %get3A_26 : vector<1x1x2048xi32> to vector<2048xi32>
      %broadcast_in_dim3A_28 = vector.shape_cast %get3A_27 : vector<2048xi32> to vector<2048x1xi32>
      %iota3A = tpu.iota {dimensions = array<i32: 1>} : vector<2048x128xi32>
      %eq3A_29 = vector.broadcast %broadcast_in_dim3A_28 : vector<2048x1xi32> to vector<2048x128xi32>
      %eq3A_30 = arith.cmpi eq, %eq3A_29, %iota3A : vector<2048x128xi32>
      %convert_element_type3A_31 = arith.extui %eq3A_30 : vector<2048x128xi1> to vector<2048x128xi32>
      %convert_element_type3A_32 = arith.sitofp %convert_element_type3A_31 : vector<2048x128xi32> to vector<2048x128xf32>
      %mul3A_33 = arith.mulf %convert_element_type3A_32, %dot_general3A_19 : vector<2048x128xf32>
      %reduce_sum3A_34 = arith.constant dense<0.000000e+00> : vector<128xf32>
      %reduce_sum3A_35 = vector.multi_reduction <add>, %convert_element_type3A_32, %reduce_sum3A_34 [0] : vector<2048x128xf32> to vector<128xf32>
      %broadcast_in_dim3A_36 = vector.shape_cast %reduce_sum3A_35 : vector<128xf32> to vector<1x128xf32>
      %reduce_sum3A_37 = arith.constant dense<0.000000e+00> : vector<128xf32>
      %reduce_sum3A_38 = vector.multi_reduction <add>, %mul3A_33, %reduce_sum3A_37 [0] : vector<2048x128xf32> to vector<128xf32>
      %broadcast_in_dim3A_39 = vector.shape_cast %reduce_sum3A_38 : vector<128xf32> to vector<1x128xf32>
      %mul3A_40 = arith.mulf %mul3A_33, %dot_general3A_19 : vector<2048x128xf32>
      %reduce_sum3A_41 = arith.constant dense<0.000000e+00> : vector<128xf32>
      %reduce_sum3A_42 = vector.multi_reduction <add>, %mul3A_40, %reduce_sum3A_41 [0] : vector<2048x128xf32> to vector<128xf32>
      %broadcast_in_dim3A_43 = vector.shape_cast %reduce_sum3A_42 : vector<128xf32> to vector<1x128xf32>
      %concatenate3A = tpu.concatenate %broadcast_in_dim3A_36, %broadcast_in_dim3A_39, %broadcast_in_dim3A_43 in 0 : vector<1x128xf32>, vector<1x128xf32>, vector<1x128xf32> -> vector<3x128xf32>
      %add3A = arith.addf %get3A_22, %concatenate3A : vector<3x128xf32>
      %swap3A = arith.constant 0 : index
      %swap3A_44 = arith.constant 0 : index
      %swap3A_45 = vector.load %arg7[%swap3A, %swap3A_44] : memref<3x128xf32, #tpu.memory_space<vmem>>, vector<3x128xf32>
      tpu.vector_store %arg7[%swap3A, %swap3A_44], %add3A {strides = array<i32>} : memref<3x128xf32, #tpu.memory_space<vmem>>, vector<3x128xf32>,
    } else {
    }
    %eq3A_6 = arith.constant 8 : i32
    %eq3A_7 = arith.cmpi eq, %arg0, %eq3A_6 : i32
    %convert_element_type3A_8 = arith.extui %eq3A_7 : i1 to i32
    %cond3A_9 = arith.constant 0 : i32
    %cond3A_10 = arith.cmpi ne, %convert_element_type3A_8, %cond3A_9 : i32
    scf.if %cond3A_10 {
      %get3A = arith.constant 0 : index
      %get3A_11 = arith.constant 0 : index
      %get3A_12 = vector.load %arg7[%get3A, %get3A_11] : memref<3x128xf32, #tpu.memory_space<vmem>>, vector<3x128xf32>
      %get3A_13 = arith.constant 0 : index
      %get3A_14 = arith.constant 0 : index
      %get3A_15 = vector.load %arg4[%get3A_13, %get3A_14] : memref<3x128xf32, #tpu.memory_space<vmem>>, vector<3x128xf32>
      %slice3A = vector.extract_strided_slice %get3A_12 {offsets = [1, 0], sizes = [1, 128], strides = [1, 1]} : vector<3x128xf32> to vector<1x128xf32>
      %squeeze3A = vector.shape_cast %slice3A : vector<1x128xf32> to vector<128xf32>
      %reduce_sum3A = vector.shape_cast %squeeze3A : vector<128xf32> to vector<1x128xf32>
      %reduce_sum3A_16 = arith.constant dense<0.000000e+00> : vector<1xf32>
      %reduce_sum3A_17 = vector.multi_reduction <add>, %reduce_sum3A, %reduce_sum3A_16 [1] : vector<1x128xf32> to vector<1xf32>
      %reduce_sum3A_18 = vector.shape_cast %reduce_sum3A_17 : vector<1xf32> to vector<1x1xf32>
      %reduce_sum3A_19 = vector.extract %reduce_sum3A_18[0, 0] : f32 from vector<1x1xf32>
      %mul3A = arith.constant 2.000000e+00 : f32
      %mul3A_20 = arith.mulf %mul3A, %reduce_sum3A_19 : f32
      %sub3A = arith.constant 1.638400e+04 : f32
      %sub3A_21 = arith.subf %sub3A, %mul3A_20 : f32
      %slice3A_22 = vector.extract_strided_slice %get3A_12 {offsets = [2, 0], sizes = [1, 128], strides = [1, 1]} : vector<3x128xf32> to vector<1x128xf32>
      %squeeze3A_23 = vector.shape_cast %slice3A_22 : vector<1x128xf32> to vector<128xf32>
      %reduce_sum3A_24 = vector.shape_cast %squeeze3A_23 : vector<128xf32> to vector<1x128xf32>
      %reduce_sum3A_25 = arith.constant dense<0.000000e+00> : vector<1xf32>
      %reduce_sum3A_26 = vector.multi_reduction <add>, %reduce_sum3A_24, %reduce_sum3A_25 [1] : vector<1x128xf32> to vector<1xf32>
      %reduce_sum3A_27 = vector.shape_cast %reduce_sum3A_26 : vector<1xf32> to vector<1x1xf32>
      %reduce_sum3A_28 = vector.extract %reduce_sum3A_27[0, 0] : f32 from vector<1x1xf32>
      %add3A = arith.addf %sub3A_21, %reduce_sum3A_28 : f32
      %slice3A_29 = vector.extract_strided_slice %get3A_15 {offsets = [1, 0], sizes = [1, 128], strides = [1, 1]} : vector<3x128xf32> to vector<1x128xf32>
      %squeeze3A_30 = vector.shape_cast %slice3A_29 : vector<1x128xf32> to vector<128xf32>
      %reduce_sum3A_31 = vector.shape_cast %squeeze3A_30 : vector<128xf32> to vector<1x128xf32>
      %reduce_sum3A_32 = arith.constant dense<0.000000e+00> : vector<1xf32>
      %reduce_sum3A_33 = vector.multi_reduction <add>, %reduce_sum3A_31, %reduce_sum3A_32 [1] : vector<1x128xf32> to vector<1xf32>
      %reduce_sum3A_34 = vector.shape_cast %reduce_sum3A_33 : vector<1xf32> to vector<1x1xf32>
      %reduce_sum3A_35 = vector.extract %reduce_sum3A_34[0, 0] : f32 from vector<1x1xf32>
      %mul3A_36 = arith.constant 2.000000e+00 : f32
      %mul3A_37 = arith.mulf %mul3A_36, %reduce_sum3A_35 : f32
      %sub3A_38 = arith.constant 1.638400e+04 : f32
      %sub3A_39 = arith.subf %sub3A_38, %mul3A_37 : f32
      %slice3A_40 = vector.extract_strided_slice %get3A_15 {offsets = [2, 0], sizes = [1, 128], strides = [1, 1]} : vector<3x128xf32> to vector<1x128xf32>
      %squeeze3A_41 = vector.shape_cast %slice3A_40 : vector<1x128xf32> to vector<128xf32>
      %reduce_sum3A_42 = vector.shape_cast %squeeze3A_41 : vector<128xf32> to vector<1x128xf32>
      %reduce_sum3A_43 = arith.constant dense<0.000000e+00> : vector<1xf32>
      %reduce_sum3A_44 = vector.multi_reduction <add>, %reduce_sum3A_42, %reduce_sum3A_43 [1] : vector<1x128xf32> to vector<1xf32>
      %reduce_sum3A_45 = vector.shape_cast %reduce_sum3A_44 : vector<1xf32> to vector<1x1xf32>
      %reduce_sum3A_46 = vector.extract %reduce_sum3A_45[0, 0] : f32 from vector<1x1xf32>
      %add3A_47 = arith.addf %sub3A_39, %reduce_sum3A_46 : f32
      %div3A = arith.constant 1.638400e+04 : f32
      %div3A_48 = arith.divf %add3A, %div3A : f32
      %get3A_49 = arith.constant 0 : index
      %get3A_50 = memref.load %arg8[%get3A_49] : memref<4xf32, #tpu.memory_space<smem>>
      %div3A_51 = arith.divf %div3A_48, %get3A_50 : f32
      %div3A_52 = arith.constant 1.638400e+04 : f32
      %div3A_53 = arith.divf %add3A_47, %div3A_52 : f32
      %add3A_54 = arith.addf %div3A_51, %div3A_53 : f32
      %broadcast_in_dim3A = vector.broadcast %add3A_54 : f32 to vector<1x1xf32>
      %swap3A = arith.constant 0 : index
      %swap3A_55 = arith.constant 0 : index
      %swap3A_56 = vector.load %arg5[%swap3A, %swap3A_55] : memref<1x1xf32, #tpu.memory_space<vmem>>, vector<1x1xf32>
      tpu.vector_store %arg5[%swap3A, %swap3A_55], %broadcast_in_dim3A {strides = array<i32>} : memref<1x1xf32, #tpu.memory_space<vmem>>, vector<1x1xf32>,
    } else {
    }
    return
  }
  func.func @transform_0(%arg0: i32) -> (i32, i32, i32) {
    %c0_i32 = arith.constant 0 : i32
    %c0_i32_0 = arith.constant 0 : i32
    %c0_i32_1 = arith.constant 0 : i32
    %c0_i32_2 = arith.constant 0 : i32
    return %c0_i32, %c0_i32_0, %c0_i32_1 : i32, i32, i32
  }
  func.func @transform_1(%arg0: i32) -> (i32, i32, i32) {
    %sub3A = arith.constant 1 : i32
    %sub3A_0 = arith.subi %arg0, %sub3A : i32
    %max3A = arith.constant 0 : i32
    %max3A_1 = arith.maxsi %sub3A_0, %max3A : i32
    %c0_i32 = arith.constant 0 : i32
    %c0_i32_2 = arith.constant 0 : i32
    %c0_i32_3 = arith.constant 0 : i32
    return %max3A_1, %c0_i32, %c0_i32_2 : i32, i32, i32
  }
  func.func @transform_2(%arg0: i32) -> (i32, i32) {
    %sub3A = arith.constant 1 : i32
    %sub3A_0 = arith.subi %arg0, %sub3A : i32
    %max3A = arith.constant 0 : i32
    %max3A_1 = arith.maxsi %sub3A_0, %max3A : i32
    %c0_i32 = arith.constant 0 : i32
    %c0_i32_2 = arith.constant 0 : i32
    return %max3A_1, %c0_i32 : i32, i32
  }
  func.func @transform_3(%arg0: i32) -> (i32, i32) {
    %c0_i32 = arith.constant 0 : i32
    %c0_i32_0 = arith.constant 0 : i32
    %c0_i32_1 = arith.constant 0 : i32
    return %c0_i32, %c0_i32_0 : i32, i32
  }
  func.func @transform_4(%arg0: i32) -> (i32, i32) {
    %c0_i32 = arith.constant 0 : i32
    %c0_i32_0 = arith.constant 0 : i32
    %c0_i32_1 = arith.constant 0 : i32
    return %c0_i32, %c0_i32_0 : i32, i32
  }
}

module attributes {stable_mosaic.version = 14 : i64} {
  func.func @_ct_body(%arg0: i32, %arg1: memref<1x1x2048xi32, #tpu.memory_space<vmem>>, %arg2: memref<2048x128xf32, #tpu.memory_space<vmem>>, %arg3: memref<100x128xf32, #tpu.memory_space<vmem>>, %arg4: memref<3x128xf32, #tpu.memory_space<vmem>>, %arg5: memref<128x128xf32, #tpu.memory_space<vmem>>, %arg6: memref<3x128xf32, #tpu.memory_space<vmem>>) attributes {dimension_semantics = [#tpu.dimension_semantics<arbitrary>], iteration_bounds = array<i64: 8>, scalar_prefetch = 0 : i64, scratch_operands = 2 : i64, tpu.core_type = #tpu.core_type<tc>, window_params = [{transform_indices = @transform_0, window_bounds = array<i64: 1, 1, 2048>}, {transform_indices = @transform_1, window_bounds = array<i64: 2048, 128>}, {pipeline_mode = #tpu.pipeline_mode<synchronous>, transform_indices = @transform_2, window_bounds = array<i64: 100, 128>}, {pipeline_mode = #tpu.pipeline_mode<synchronous>, transform_indices = @transform_3, window_bounds = array<i64: 3, 128>}]} {
    %eq3A = arith.constant 0 : i32
    %eq3A_0 = arith.cmpi eq, %arg0, %eq3A : i32
    %convert_element_type3A = arith.extui %eq3A_0 : i1 to i32
    %cond3A = arith.constant 0 : i32
    %cond3A_1 = arith.cmpi ne, %convert_element_type3A, %cond3A : i32
    scf.if %cond3A_1 {
      %get3A_42 = arith.constant 0 : index
      %get3A_43 = arith.constant 0 : index
      %get3A_44 = vector.load %arg3[%get3A_42, %get3A_43] : memref<100x128xf32, #tpu.memory_space<vmem>>, vector<100x128xf32>
      %mul3A_45 = arith.mulf %get3A_44, %get3A_44 : vector<100x128xf32>
      %reduce_sum3A_46 = arith.constant dense<0.000000e+00> : vector<100xf32>
      %reduce_sum3A_47 = vector.multi_reduction <add>, %mul3A_45, %reduce_sum3A_46 [1] : vector<100x128xf32> to vector<100xf32>
      %sqrt3A = math.sqrt %reduce_sum3A_47 : vector<100xf32>
      %broadcast_in_dim3A_48 = vector.shape_cast %sqrt3A : vector<100xf32> to vector<100x1xf32>
      %mul3A_49 = vector.broadcast %broadcast_in_dim3A_48 : vector<100x1xf32> to vector<100x128xf32>
      %mul3A_50 = arith.mulf %get3A_44, %mul3A_49 : vector<100x128xf32>
      %broadcast_in_dim3A_51 = arith.constant 0.000000e+00 : f32
      %broadcast_in_dim3A_52 = vector.broadcast %broadcast_in_dim3A_51 : f32 to vector<28x128xf32>
      %concatenate3A_53 = tpu.concatenate %mul3A_50, %broadcast_in_dim3A_52 in 0 : vector<100x128xf32>, vector<28x128xf32> -> vector<128x128xf32>
      %swap3A_54 = arith.constant 0 : index
      %swap3A_55 = arith.constant 0 : index
      %swap3A_56 = vector.load %arg5[%swap3A_54, %swap3A_55] : memref<128x128xf32, #tpu.memory_space<vmem>>, vector<128x128xf32>
      tpu.vector_store %arg5[%swap3A_54, %swap3A_55], %concatenate3A_53 {strides = array<i32>} : memref<128x128xf32, #tpu.memory_space<vmem>>, vector<128x128xf32>,
      %broadcast_in_dim3A_57 = arith.constant 0.000000e+00 : f32
      %broadcast_in_dim3A_58 = vector.broadcast %broadcast_in_dim3A_57 : f32 to vector<3x128xf32>
      %swap3A_59 = arith.constant 0 : index
      %swap3A_60 = arith.constant 0 : index
      %swap3A_61 = vector.load %arg6[%swap3A_59, %swap3A_60] : memref<3x128xf32, #tpu.memory_space<vmem>>, vector<3x128xf32>
      tpu.vector_store %arg6[%swap3A_59, %swap3A_60], %broadcast_in_dim3A_58 {strides = array<i32>} : memref<3x128xf32, #tpu.memory_space<vmem>>, vector<3x128xf32>,
    } else {
    }
    %get3A = arith.constant 0 : index
    %get3A_2 = arith.constant 0 : index
    %get3A_3 = vector.load %arg2[%get3A, %get3A_2] : memref<2048x128xf32, #tpu.memory_space<vmem>>, vector<2048x128xf32>
    %mul3A = arith.mulf %get3A_3, %get3A_3 : vector<2048x128xf32>
    %reduce_sum3A = arith.constant dense<0.000000e+00> : vector<2048xf32>
    %reduce_sum3A_4 = vector.multi_reduction <add>, %mul3A, %reduce_sum3A [1] : vector<2048x128xf32> to vector<2048xf32>
    %rsqrt3A = math.rsqrt %reduce_sum3A_4 : vector<2048xf32>
    %broadcast_in_dim3A = vector.shape_cast %rsqrt3A : vector<2048xf32> to vector<2048x1xf32>
    %mul3A_5 = vector.broadcast %broadcast_in_dim3A : vector<2048x1xf32> to vector<2048x128xf32>
    %mul3A_6 = arith.mulf %get3A_3, %mul3A_5 : vector<2048x128xf32>
    %get3A_7 = arith.constant 0 : index
    %get3A_8 = arith.constant 0 : index
    %get3A_9 = vector.load %arg5[%get3A_7, %get3A_8] : memref<128x128xf32, #tpu.memory_space<vmem>>, vector<128x128xf32>
    %dot_general3A = arith.constant dense<0.000000e+00> : vector<2048x128xf32>
    %dot_general3A_10 = tpu.matmul %mul3A_6, %get3A_9, %dot_general3A {dimension_numbers = #tpu.dot_dimension_numbers<[1], [1], [0], [0], [0, 0, 1, 0], [], []>, transpose_lhs_hint = false} : vector<2048x128xf32>, vector<128x128xf32>, vector<2048x128xf32> -> vector<2048x128xf32>
    %get3A_11 = arith.constant 0 : index
    %get3A_12 = arith.constant 0 : index
    %get3A_13 = vector.load %arg6[%get3A_11, %get3A_12] : memref<3x128xf32, #tpu.memory_space<vmem>>, vector<3x128xf32>
    %get3A_14 = arith.constant 0 : index
    %get3A_15 = arith.constant 0 : index
    %get3A_16 = arith.constant 0 : index
    %get3A_17 = vector.load %arg1[%get3A_14, %get3A_15, %get3A_16] : memref<1x1x2048xi32, #tpu.memory_space<vmem>>, vector<1x1x2048xi32>
    %get3A_18 = vector.shape_cast %get3A_17 : vector<1x1x2048xi32> to vector<2048xi32>
    %broadcast_in_dim3A_19 = vector.shape_cast %get3A_18 : vector<2048xi32> to vector<2048x1xi32>
    %iota3A = tpu.iota {dimensions = array<i32: 1>} : vector<2048x128xi32>
    %eq3A_20 = vector.broadcast %broadcast_in_dim3A_19 : vector<2048x1xi32> to vector<2048x128xi32>
    %eq3A_21 = arith.cmpi eq, %eq3A_20, %iota3A : vector<2048x128xi32>
    %convert_element_type3A_22 = arith.extui %eq3A_21 : vector<2048x128xi1> to vector<2048x128xi32>
    %convert_element_type3A_23 = arith.sitofp %convert_element_type3A_22 : vector<2048x128xi32> to vector<2048x128xf32>
    %mul3A_24 = arith.mulf %convert_element_type3A_23, %dot_general3A_10 : vector<2048x128xf32>
    %reduce_sum3A_25 = arith.constant dense<0.000000e+00> : vector<128xf32>
    %reduce_sum3A_26 = vector.multi_reduction <add>, %convert_element_type3A_23, %reduce_sum3A_25 [0] : vector<2048x128xf32> to vector<128xf32>
    %broadcast_in_dim3A_27 = vector.shape_cast %reduce_sum3A_26 : vector<128xf32> to vector<1x128xf32>
    %reduce_sum3A_28 = arith.constant dense<0.000000e+00> : vector<128xf32>
    %reduce_sum3A_29 = vector.multi_reduction <add>, %mul3A_24, %reduce_sum3A_28 [0] : vector<2048x128xf32> to vector<128xf32>
    %broadcast_in_dim3A_30 = vector.shape_cast %reduce_sum3A_29 : vector<128xf32> to vector<1x128xf32>
    %mul3A_31 = arith.mulf %mul3A_24, %dot_general3A_10 : vector<2048x128xf32>
    %reduce_sum3A_32 = arith.constant dense<0.000000e+00> : vector<128xf32>
    %reduce_sum3A_33 = vector.multi_reduction <add>, %mul3A_31, %reduce_sum3A_32 [0] : vector<2048x128xf32> to vector<128xf32>
    %broadcast_in_dim3A_34 = vector.shape_cast %reduce_sum3A_33 : vector<128xf32> to vector<1x128xf32>
    %concatenate3A = tpu.concatenate %broadcast_in_dim3A_27, %broadcast_in_dim3A_30, %broadcast_in_dim3A_34 in 0 : vector<1x128xf32>, vector<1x128xf32>, vector<1x128xf32> -> vector<3x128xf32>
    %add3A = arith.addf %get3A_13, %concatenate3A : vector<3x128xf32>
    %swap3A = arith.constant 0 : index
    %swap3A_35 = arith.constant 0 : index
    %swap3A_36 = vector.load %arg6[%swap3A, %swap3A_35] : memref<3x128xf32, #tpu.memory_space<vmem>>, vector<3x128xf32>
    tpu.vector_store %arg6[%swap3A, %swap3A_35], %add3A {strides = array<i32>} : memref<3x128xf32, #tpu.memory_space<vmem>>, vector<3x128xf32>,
    %eq3A_37 = arith.constant 7 : i32
    %eq3A_38 = arith.cmpi eq, %arg0, %eq3A_37 : i32
    %convert_element_type3A_39 = arith.extui %eq3A_38 : i1 to i32
    %cond3A_40 = arith.constant 0 : i32
    %cond3A_41 = arith.cmpi ne, %convert_element_type3A_39, %cond3A_40 : i32
    scf.if %cond3A_41 {
      %get3A_42 = arith.constant 0 : index
      %get3A_43 = arith.constant 0 : index
      %get3A_44 = vector.load %arg6[%get3A_42, %get3A_43] : memref<3x128xf32, #tpu.memory_space<vmem>>, vector<3x128xf32>
      %swap3A_45 = arith.constant 0 : index
      %swap3A_46 = arith.constant 0 : index
      %swap3A_47 = vector.load %arg4[%swap3A_45, %swap3A_46] : memref<3x128xf32, #tpu.memory_space<vmem>>, vector<3x128xf32>
      tpu.vector_store %arg4[%swap3A_45, %swap3A_46], %get3A_44 {strides = array<i32>} : memref<3x128xf32, #tpu.memory_space<vmem>>, vector<3x128xf32>,
    } else {
    }
    return
  }
  func.func @transform_0(%arg0: i32) -> (i32, i32, i32) {
    %c0_i32 = arith.constant 0 : i32
    %c0_i32_0 = arith.constant 0 : i32
    %c0_i32_1 = arith.constant 0 : i32
    return %arg0, %c0_i32, %c0_i32_0 : i32, i32, i32
  }
  func.func @transform_1(%arg0: i32) -> (i32, i32) {
    %c0_i32 = arith.constant 0 : i32
    %c0_i32_0 = arith.constant 0 : i32
    return %arg0, %c0_i32 : i32, i32
  }
  func.func @transform_2(%arg0: i32) -> (i32, i32) {
    %c0_i32 = arith.constant 0 : i32
    %c0_i32_0 = arith.constant 0 : i32
    %c0_i32_1 = arith.constant 0 : i32
    return %c0_i32, %c0_i32_0 : i32, i32
  }
  func.func @transform_3(%arg0: i32) -> (i32, i32) {
    %c0_i32 = arith.constant 0 : i32
    %c0_i32_0 = arith.constant 0 : i32
    %c0_i32_1 = arith.constant 0 : i32
    return %c0_i32, %c0_i32_0 : i32, i32
  }
}

</mosaic_0001>

<sc_bundles>
// kernel: kernel.5.cloned.1.call-start
scs
__scs_entry_jumppad:
0x0: {  	(pc) =	sbr.rel $0x88, $3  }
0x1: {  	(tag) =	ssettag $0x0;
	lr =	simm.s32 $0x1  }
0x2: {  	[smem:$0x3F9E] =	sst lr;
	_ =	strace $0xD0000000  }
0x3: {  	_ = 	snop  }
0x4: {  	_ = 	snop  }
0x5: {  	_ = 	snop  }
0x6: {  	_ = 	snop  }
0x7: {  	_ = 	snop  }
__scs_overlays_trampoline_lowered:
0x8: {  	[smem:$0x3FAD] =	sst s0  }
0x9: {  	[smem:$0x3FAE] =	sst s1  }
0xa: {  	[smem:$0x3FAF] =	sst s2  }
0xb: {  	[smem:$0x3FB0] =	sst s3  }
0xc: {  	[smem:$0x3FB1] =	sst s4  }
0xd: {  	[smem:$0x3FB2] =	sst s5  }
0xe: {  	[smem:$0x3FB3] =	sst s6  }
0xf: {  	[smem:$0x3FB4] =	sst s7  }
0x10: {  	[smem:$0x3FB5] =	sst s8  }
0x11: {  	[smem:$0x3FB6] =	sst s9;
	s0 =	simm.s32 @!p0 $0x0  }
0x12: {  	s1 =	sld [smem:$0x3F9C];
	s0 =	simm.s32 @p0 $0x1  }
0x13: {  	[smem:$0x3FB7] =	sst s0;
	s0 =	simm.s32 @!p1 $0x0  }
0x14: {  	s2 =	sld [smem:$0x3F9B];
	s0 =	simm.s32 @p1 $0x1  }
0x15: {  	[smem:$0x3FB8] =	sst s0;
	s0 =	simm.s32 @!p2 $0x0  }
0x16: {  	s3 =	sld [smem:$0x3FDB];
	s0 =	simm.s32 @p2 $0x1  }
0x17: {  	s4 =	simm.s32 $0x1BF5;
	[smem:$0x3FBA] =	sst s0  }
0x18: {  	s0 =	sld [smem:$0x3F9D];
	_ =	swait.ge [sflag:s4], $0x0  }
0x19: {  	s7 =	sld [smem:$0x3F9E]  }
0x1a: {  	s8 =	sadd.s32 $0xFFFFE003, lr  }
0x1b: {  	s9 =	sadd.s32 $0xFFFFFEF7, lr;
	s5 =	simm.s32 $0xFFFFFFFF;
	p2 =	slt.u32 s8, $0xFFFFF086  }
0x1c: {  	p1 =	slt.u32 s9, $0xF7A;
	s5 =	simm.s32 @!p2 $0x0  }
0x1d: {  	s5 =	simm.s32 @p1 $0x1;
	p0 =	seq.s32 s7, s2  }
0x1e: {  	s7 =	smul.u32 @!p0 $0xF7A, s2;
	p2 =	seq.s32 @!p0 s5, $0x0  }
0x1f: {  	s9 =	smul.u32 $0xF7A, s1;
	s8 =	simm.s32 @!p0 $0x1BF5;
	p2 =	por !p2, p0  }
0x20: {  	[sflag:s8] =	ssyncset.s32 @!p0 $0xFFFFF086;
	s6 =	sadd.s32 @!p0 s3, s7;
	s7 =	simm.s32 @!p0 $0x108  }
0x21: {  	s3 =	sadd.s32 s3, s9;
	s6 =	sadd.s32 @!p0 $0x88, s6;
	s7 =	simm.s32 @p2 $0x1082  }
0x22: {  	[simem:s7], [sflag:s8] =	dma.local @!p0 [hbm:s6], $0xF7A  }
0x23: {  	s9 =	sor.u32 $0xD0000000, s2;
	s6 =	simm.s32 $0x108;
	_ =	swait.ge @!p0 [sflag:s8], $0x0  }
0x24: {  	s3 =	sadd.s32 $0x88, s3;
	s6 =	simm.s32 @!p1 $0x1082;
	[sflag:s4] =	ssyncset.s32 $0xFFFFF086  }
0x25: {  	[simem:s6], [sflag:s4] =	dma.local [hbm:s3], $0xF7A  }
0x26: {  	[smem:$0x3F9E] =	sst s1;
	(tag) =	ssettag s2;
	_ =	strace s9  }
0x27: {  	s1 =	sld [smem:$0x3FAE]  }
0x28: {  	s2 =	sld [smem:$0x3FAF]  }
0x29: {  	s4 =	sld [smem:$0x3FB1]  }
0x2a: {  	p0 =	seq.s32 s5, $0x0;
	s5 =	sld [smem:$0x3FB2]  }
0x2b: {  	s6 =	sld [smem:$0x3FB3]  }
0x2c: {  	s7 =	sld [smem:$0x3FB4]  }
0x2d: {  	s3 =	simm.s32 $0x108;
	s8 =	sld [smem:$0x3FB5]  }
0x2e: {  	s3 =	simm.s32 @!p0 $0x1082;
	s9 =	sld [smem:$0x3FB6]  }
0x2f: {  	lr =	sadd.s32 s0, s3;
	s0 =	sld [smem:$0x3FAD]  }
0x30: {  	s3 =	sld [smem:$0x3FB0]  }
0x31: {  	[smem:$0x3FB9] =	sst s10  }
0x32: {  	s10 =	sld [smem:$0x3FB7];
	_ =	sdelay $0x3  }
0x33: {  	p0 =	seq.s32 s10, $0x1;
	s10 =	sld [smem:$0x3FB9];
	_ =	sdelay $0x3  }
0x34: {  	[smem:$0x3FB9] =	sst s10  }
0x35: {  	s10 =	sld [smem:$0x3FB8];
	_ =	sdelay $0x3  }
0x36: {  	p1 =	seq.s32 s10, $0x1;
	s10 =	sld [smem:$0x3FB9];
	_ =	sdelay $0x3  }
0x37: {  	[smem:$0x3FB9] =	sst s10  }
0x38: {  	s10 =	sld [smem:$0x3FBA]  }
0x39: {  	_ = 	snop;
	(pc) =	sbr.ind lr, $3  }
0x3a: {  	_ = 	snop  }
0x3b: {  	_ = 	snop  }
0x3c: {  	p2 =	seq.s32 s10, $0x1;
	s10 =	sld [smem:$0x3FB9]  }
0x3d: {  	_ =	shalt  }
0x3e: {  	_ =	shalt  }
0x3f: {  	_ =	shalt  }
0x40: {  	_ =	shalt  }
0x41: {  	_ =	shalt  }
0x42: {  	_ =	shalt  }
0x43: {  	_ =	shalt  }
0x44: {  	_ =	shalt  }
0x45: {  	_ =	shalt  }
0x46: {  	_ =	shalt  }
0x47: {  	_ =	shalt  }
0x48: {  	_ =	shalt  }
0x49: {  	_ =	shalt  }
0x4a: {  	_ =	shalt  }
0x4b: {  	_ =	shalt  }
0x4c: {  	_ =	shalt  }
0x4d: {  	_ =	shalt  }
0x4e: {  	_ =	shalt  }
0x4f: {  	_ =	shalt  }
0x50: {  	_ =	shalt  }
0x51: {  	_ =	shalt  }
0x52: {  	_ =	shalt  }
0x53: {  	_ =	shalt  }
0x54: {  	_ =	shalt  }
0x55: {  	_ =	shalt  }
0x56: {  	_ =	shalt  }
0x57: {  	_ =	shalt  }
0x58: {  	_ =	shalt  }
0x59: {  	_ =	shalt  }
0x5a: {  	_ =	shalt  }
0x5b: {  	_ =	shalt  }
0x5c: {  	_ =	shalt  }
0x5d: {  	_ =	shalt  }
0x5e: {  	_ =	shalt  }
0x5f: {  	_ =	shalt  }
0x60: {  	_ =	shalt  }
0x61: {  	_ =	shalt  }
0x62: {  	_ =	shalt  }
0x63: {  	_ =	shalt  }
0x64: {  	_ =	shalt  }
0x65: {  	_ =	shalt  }
0x66: {  	_ =	shalt  }
0x67: {  	_ =	shalt  }
0x68: {  	_ =	shalt  }
0x69: {  	_ =	shalt  }
0x6a: {  	_ =	shalt  }
0x6b: {  	_ =	shalt  }
0x6c: {  	_ =	shalt  }
0x6d: {  	_ =	shalt  }
0x6e: {  	_ =	shalt  }
0x6f: {  	_ =	shalt  }
0x70: {  	_ =	shalt  }
0x71: {  	_ =	shalt  }
0x72: {  	_ =	shalt  }
0x73: {  	_ =	shalt  }
0x74: {  	_ =	shalt  }
0x75: {  	_ =	shalt  }
0x76: {  	_ =	shalt  }
0x77: {  	_ =	shalt  }
0x78: {  	_ =	shalt  }
0x79: {  	_ =	shalt  }
0x7a: {  	_ =	shalt  }
0x7b: {  	_ =	shalt  }
0x7c: {  	_ =	shalt  }
0x7d: {  	_ =	shalt  }
0x7e: {  	_ =	shalt  }
0x7f: {  	_ =	shalt  }
0x80: {  	_ =	shalt  }
0x81: {  	_ =	shalt  }
0x82: {  	_ =	shalt  }
0x83: {  	_ =	shalt  }
0x84: {  	_ =	shalt  }
0x85: {  	_ =	shalt  }
0x86: {  	_ =	shalt  }
0x87: {  	_ =	shalt  }
.Lfunc_end0:
.L_simem_size_0:
called_computation_lowered:
.L_overlay_start_0:
0x88: {  	s2 =	sld [smem:$0x3FD9]  }
0x89: {  	s3 =	sld [smem:$0x3FFE];
	_ =	sdelay $0x1  }
0x8a: {  	s1 =	srdreg.scid  }
0x8b: {  	s0 =	sand.u32 $0x1, s1  }
0x8c: {  	s17 =	sshll.u32 s0, $0xA;
	s2 =	sadd.s32 s3, s2  }
0x8d: {  	s2 =	sadd.s32 s2, s17  }
0x8e: {  	[smem:$0x3FC5] =	sst s2  }
0x8f: {  	_ = 	snop  }
0x90: {  	s2 =	sld [smem:$0x3FC9]  }
0x91: {  	s18 =	sld [smem:$0x3FC8];
	(tm) =	ssettm $0x1  }
0x92: {  	s4 =	sld [smem:$0x3FFB];
	_ =	sdelay $0x3  }
0x93: {  	_ =	strace s4  }
0x94: {  	s4 =	sld [smem:$0x3FFC];
	_ =	sdelay $0x3  }
0x95: {  	_ =	strace s4  }
0x96: {  	s4 =	sld [smem:$0x3FFD];
	_ =	sdelay $0x3  }
0x97: {  	_ =	strace s4  }
0x98: {  	_ =	strace $0x8FFFFFFF  }
0x99: {  	s19 =	sld [smem:$0x3FDB];
	_ =	sdelay $0x1  }
0x9a: {  	s5 =	simm.s32 $_scs_section_size  }
0x9b: {  	s6 =	simm.s32 $_size__tile_overlayer_lowered;
	s7 =	simm.s32 $_tile_overlayer_lowered  }
0x9c: {  	s22 =	simm.s32 $0x1BFF;
	s21 =	sshll.u32 s7, $0x1;
	s4 =	sadd.s32 s5, s19  }
0x9d: {  	s8 =	simm.s32 $0x0;
	s20 =	sshll.u32 s6, $0x1;
	s6 =	sadd.s32 s21, s4  }
0x9e: {  	[timem:s8], [sflag:s22] =	dma.local [hbm:s6], s20  }
0x9f: {  	_ =	swait.ge [sflag:s22], s20  }
0xa0: {  	s5 =	ssub.s32 $0x0, s20;
	[sflag:s22] =	ssyncset.done $0x0  }
0xa1: {  	[sflag:s22] =	ssyncadd.s32 s5;
	_ =	sdelay $0x1  }
0xa2: {  	s23 =	simm.s32 $0x1B8B  }
0xa3: {  	_ =	swait.ge [sflag:s23], $0x1  }
0xa4: {  	[sflag:s23] =	ssyncset.done $0x0  }
0xa5: {  	s25 =	simm.s32 $0x1B8E;
	s24 =	sld [smem:$0x3FFE];
	[sflag:s23] =	ssyncadd.s32 $0xFFFFFFFF  }
0xa6: {  	s26 =	simm.s32 $execute0_lowered;
	[smem:$0x3FD2] =	sst s25  }
0xa7: {  	s6 =	sshll.u32 s26, $0x1;
	_ =	strace $0x80000046;
	[dreg:$0x1] =	wrdreg $0xFFFFFFFF  }
0xa8: {  	s28 =	simm.s32 $_size_execute0_lowered;
	s4 =	sadd.s32 s4, s6;
	[dreg:$0x0] =	wrdreg $0x0  }
0xa9: {  	s6 =	sshll.u32 s28, $0x1;
	[dreg:$0x2] =	wrdreg s4  }
0xaa: {  	[dreg:$0x3] =	wrdreg s6  }
0xab: {  	[dreg:$0x4] =	wrdreg $0xC0  }
0xac: {  	_ =	task [dreg:s8], $0x5FFFF  }
0xad: {  	[dreg:$0x1] =	wrdreg $0xFFFFFFFF  }
0xae: {  	[dreg:$0x0] =	wrdreg $0x60  }
0xaf: {  	[dreg:$0x2] =	wrdreg s2  }
0xb0: {  	[dreg:$0x3] =	wrdreg s18  }
0xb1: {  	[dreg:$0x4] =	wrdreg s24  }
0xb2: {  	[dreg:$0x5] =	wrdreg $0x106000  }
0xb3: {  	[dreg:$0x6] =	wrdreg $0x9  }
0xb4: {  	_ =	task.clear_ibuf [dreg:s8], $0x7FFFF;
	_ =	strace $0x90000046  }
0xb5: {  	s29 =	simm.s32 $0x9;
	_ =	strace $0x80000048  }
0xb6: {  	_ =	swait.ge [sflag:s29], $0x1  }
0xb7: {  	[sflag:s29] =	ssyncadd.s32 $0xFFFFFFFF  }
0xb8: {  	_ =	strace $0x90000048  }
0xb9: {  	_ =	sfence  }
0xba: {  	s30 =	sld [smem:$0x0];
	_ =	sdelay $0x2  }
0xbb: {  	s31 =	sshll.u32 s1, $0xD;
	s1 =	sshrl.u32 s1, $0x2  }
0xbc: {  	s3 =	sand.u32 $0x4000, s31;
	s1 =	sadd.s32 s1, s30  }
0xbd: {  	s0 =	sor.u32 s3, s0;
	s1 =	sshll.u32 s1, $0x11  }
0xbe: {  	s0 =	sor.u32 s1, s0  }
0xbf: {  	s0 =	sadd.s32 $0x8F2B, s0  }
0xc0: {  	[sflag:s0] =	ssyncadd.remote.s32 $0x1  }
0xc1: {  	_ =	sfence.sel $0xFFFF  }
0xc2: {  	[dreg:$0x0] =	wrdreg $0xFFFFFFFF;
	(pc) =	sbr.abs _section_cstart, $3  }
0xc3: {  	[dreg:$0x1] =	wrdreg $0xFFFFFFFF  }
0xc4: {  	_ =	task.clear_ibuf [dreg:s8], $0x2FFFF;
	_ =	strace $0x9FFFFFFF  }
0xc5: {  	(tm) =	ssettm $0x7FFFFFFF  }
tec
execute0_lowered:
.L_overlay_start_1:
0x0: {  	(tag) =	ssettag $0x1  }
0x1: {  	s3 =	rddreg [dreg:$0x0]  }
0x2: {  	s4 =	rddreg [dreg:$0x1]  }
0x3: {  	s5 =	rddreg [dreg:$0x2]  }
0x4: {  	s0 =	srdreg.scid;
	s1 =	rddreg [dreg:$0x3]  }
0x5: {  	s2 =	simm.s32 $0x0;
	s9 =	stileid.u32;
	s12 =	simm.s32 $0x80  }
0x6: {  	s13 =	simm.s32 $0x10080;
	s14 =	simm.s32 $0x4000;
	s15 =	simm.s32 $0x10100  }
0x7: {  	s16 =	simm.s32 $0x8000;
	s6 =	sand.u32 $0x1, s0;
	s0 =	rddreg [dreg:$0x4]  }
0x8: {  	s17 =	simm.s32 $0x10180;
	s18 =	simm.s32 $0xC000;
	[smem:$0x7FF] =	sst s2  }
0x9: {  	s30 =	sshll.u32 s9, $0x6;
	s10 =	smul.u32 $0xE00, s9;
	p0 =	sne.s32 s9, $0x0  }
0xa: {  	s7 =	smul.u32 $0x700, s6;
	s8 =	ssub.s32 $0x2, s6;
	_ =	strace $0x80000047  }
0xb: {  	s29 =	sshll.u32 s6, $0x4;
	s6 =	sand.u32 $0x40, s30;
	s19 =	sshrl.u32 @!p0 s1, $0x3  }
0xc: {  	s28 =	sshrl.u32 s8, $0x1;
	s4 =	sadd.s32 s4, s6;
	s31 =	sshrl.u32 s10, $0x2  }
0xd: {  	s10 =	simm.s32 $0x2;
	s7 =	sadd.s32 s7, s5;
	s5 =	sor.u32 s9, s29  }
0xe: {  	s8 =	ssub.s32 s8, s28;
	s9 =	simm.s32 $0x10200;
	s11 =	sshll.u32 s5, $0xD  }
0xf: {  	s5 =	sshll.u32 s5, $0x6;
	s6 =	sadd.s32 $0xC00, s7;
	s7 =	smax.u32 s8, $0x1  }
0x10: {  	s8 =	simm.s32 $0x10000;
	s5 =	sand.u32 $0x780, s5;
	s3 =	sadd.s32 s3, s11  }
0x11: {  	v0 =	vimm.f32 $0.0e+00;
	s11 =	simm.s32 $0x1;
	s4 =	sadd.s32 s5, s4;
	s5 =	sadd.s32 s31, s1  }
.LBB2_1:
0x12: {  	[tilespmem:s2], [sflag:$0x1] =	stream.linear.gather [hbm4b:s3+s2], $0x10000, $0x38;
	[tilespmem:$0x10980] =	vst v63  }
0x13: {  	_ = 	snop  }
0x14: {  	[tilespmem:s8], [sflag:$0x1] =	stream.linear.gather [hbm4b:s4+s2], $0x200, $0x38;
	[tilespmem:$0x10980] =	vst v63  }
0x15: {  	[tilespmem:$0x10200] =	vst v0  }
0x16: {  	[tilespmem:$0x10210] =	vst v0  }
0x17: {  	[tilespmem:$0x10220] =	vst v0  }
0x18: {  	[tilespmem:$0x10230] =	vst v0  }
0x19: {  	[tilespmem:$0x10240] =	vst v0  }
0x1a: {  	[tilespmem:$0x10250] =	vst v0  }
0x1b: {  	[tilespmem:$0x10260] =	vst v0  }
0x1c: {  	[tilespmem:$0x10270] =	vst v0  }
0x1d: {  	[tilespmem:$0x10280] =	vst v0  }
0x1e: {  	[tilespmem:$0x10290] =	vst v0  }
0x1f: {  	[tilespmem:$0x102A0] =	vst v0  }
0x20: {  	[tilespmem:$0x102B0] =	vst v0  }
0x21: {  	[tilespmem:$0x102C0] =	vst v0  }
0x22: {  	[tilespmem:$0x102D0] =	vst v0  }
0x23: {  	[tilespmem:$0x102E0] =	vst v0  }
0x24: {  	[tilespmem:$0x102F0] =	vst v0  }
0x25: {  	[tilespmem:$0x10300] =	vst v0  }
0x26: {  	[tilespmem:$0x10310] =	vst v0  }
0x27: {  	[tilespmem:$0x10320] =	vst v0  }
0x28: {  	[tilespmem:$0x10330] =	vst v0  }
0x29: {  	[tilespmem:$0x10340] =	vst v0  }
0x2a: {  	[tilespmem:$0x10350] =	vst v0  }
0x2b: {  	[tilespmem:$0x10360] =	vst v0  }
0x2c: {  	[tilespmem:$0x10370] =	vst v0  }
0x2d: {  	[tilespmem:$0x10380] =	vst v0  }
0x2e: {  	[tilespmem:$0x10390] =	vst v0  }
0x2f: {  	[tilespmem:$0x103A0] =	vst v0  }
0x30: {  	[tilespmem:$0x103B0] =	vst v0  }
0x31: {  	[tilespmem:$0x103C0] =	vst v0  }
0x32: {  	[tilespmem:$0x103D0] =	vst v0  }
0x33: {  	[tilespmem:$0x103E0] =	vst v0  }
0x34: {  	[tilespmem:$0x103F0] =	vst v0  }
0x35: {  	[tilespmem:$0x10400] =	vst v0  }
0x36: {  	[tilespmem:$0x10410] =	vst v0  }
0x37: {  	[tilespmem:$0x10420] =	vst v0  }
0x38: {  	[tilespmem:$0x10430] =	vst v0  }
0x39: {  	[tilespmem:$0x10440] =	vst v0  }
0x3a: {  	[tilespmem:$0x10450] =	vst v0  }
0x3b: {  	[tilespmem:$0x10460] =	vst v0  }
0x3c: {  	[tilespmem:$0x10470] =	vst v0  }
0x3d: {  	[tilespmem:$0x10480] =	vst v0  }
0x3e: {  	[tilespmem:$0x10490] =	vst v0  }
0x3f: {  	[tilespmem:$0x104A0] =	vst v0  }
0x40: {  	[tilespmem:$0x104B0] =	vst v0  }
0x41: {  	[tilespmem:$0x104C0] =	vst v0  }
0x42: {  	[tilespmem:$0x104D0] =	vst v0  }
0x43: {  	[tilespmem:$0x104E0] =	vst v0  }
0x44: {  	[tilespmem:$0x104F0] =	vst v0  }
0x45: {  	[tilespmem:$0x10500] =	vst v0  }
0x46: {  	[tilespmem:$0x10510] =	vst v0  }
0x47: {  	[tilespmem:$0x10520] =	vst v0  }
0x48: {  	[tilespmem:$0x10530] =	vst v0  }
0x49: {  	[tilespmem:$0x10540] =	vst v0  }
0x4a: {  	[tilespmem:$0x10550] =	vst v0  }
0x4b: {  	[tilespmem:$0x10560] =	vst v0  }
0x4c: {  	[tilespmem:$0x10570] =	vst v0  }
0x4d: {  	[spmem:s5] =	stream.linear.scatter [tilespmem:s9], [sflag:$0x2], $0x380, $0x38;
	[tilespmem:$0x10980] =	vst v63  }
0x4e: {  	_ =	swait.ge [sflag:s10], $0x380  }
0x4f: {  	[sflag:s10] =	ssyncset.done $0x0  }
0x50: {  	[sflag:s10] =	ssyncadd.s32 $0xFFFFFC80  }
0x51: {  	[bflag:$0x0] =	sbarrier.arrive $0xFFFF  }
0x52: {  	_ =	swait.ge [sflag:s11], $0x10000  }
0x53: {  	[sflag:s11] =	ssyncset.done $0x0  }
0x54: {  	[sflag:s11] =	ssyncadd.s32 $0xFFFF0000  }
0x55: {  	_ =	swait.ge [sflag:s11], $0x200  }
0x56: {  	[sflag:s11] =	ssyncset.done $0x0  }
0x57: {  	[sflag:s11] =	ssyncadd.s32 $0xFFFFFE00  }
0x58: {  	[spmem:s1] =	stream.indirect.scatter.add.f32 [tilespmem:s2], [sflag:$0x1], $0x80, s8, s12, $0xb8;
	[tilespmem:$0x10980] =	vst v63  }
0x59: {  	_ = 	snop  }
0x5a: {  	[spmem:s1] =	stream.indirect.scatter.add.f32 [tilespmem:s14], [sflag:$0x1], $0x80, s13, s12, $0xb8;
	[tilespmem:$0x10980] =	vst v63  }
0x5b: {  	_ = 	snop  }
0x5c: {  	[spmem:s1] =	stream.indirect.scatter.add.f32 [tilespmem:s16], [sflag:$0x1], $0x80, s15, s12, $0xb8;
	[tilespmem:$0x10980] =	vst v63  }
0x5d: {  	_ = 	snop  }
0x5e: {  	[spmem:s1] =	stream.indirect.scatter.add.f32 [tilespmem:s18], [sflag:$0x1], $0x80, s17, s12, $0xb8;
	[tilespmem:$0x10980] =	vst v63  }
0x5f: {  	_ =	swait.ge [sflag:s11], $0x4000  }
0x60: {  	[sflag:s11] =	ssyncset.done $0x0  }
0x61: {  	[sflag:s11] =	ssyncadd.s32 $0xFFFFC000  }
0x62: {  	_ =	swait.ge [sflag:s11], $0x4000  }
0x63: {  	[sflag:s11] =	ssyncset.done $0x0  }
0x64: {  	[sflag:s11] =	ssyncadd.s32 $0xFFFFC000  }
0x65: {  	_ =	swait.ge [sflag:s11], $0x4000  }
0x66: {  	[sflag:s11] =	ssyncset.done $0x0  }
0x67: {  	[sflag:s11] =	ssyncadd.s32 $0xFFFFC000  }
0x68: {  	_ =	swait.ge [sflag:s11], $0x4000  }
0x69: {  	[sflag:s11] =	ssyncset.done $0x0  }
0x6a: {  	s7 =	sadd.s32 $0xFFFFFFFF, s7;
	[sflag:s11] =	ssyncadd.s32 $0xFFFFC000  }
0x6b: {  	s20 =	simm.s32 @!p0 $0x1C02;
	p1 =	sne.s32 s7, $0x0;
	[bflag:$0x0] =	sbarrier.arrive $0xFFFF  }
0x6c: {  	[hbm:s6], [sflag:s20] =	dma.local @!p0 [spmem:s19], $0x700  }
.Ltmp0:
0x6d: {  	_ = 	snop;
	(pc) =	sbr.rel @p1 .LBB2_1-.Ltmp0, $4  }
0x6e: {  	s20 =	simm.s32 @!p0 $0x2  }
0x6f: {  	_ =	swait.ge @!p0 [sflag:s20], $0x700  }
0x70: {  	[sflag:s20] =	ssyncset.done @!p0 $0x0  }
0x71: {  	[sflag:s20] =	ssyncadd.s32 @!p0 $0xFFFFF900  }
0x72: {  	_ =	sfence.sel $0x180000  }
0x73: {  	[bflag:$0x0] =	sbarrier.arrive $0xFFFF  }
0x74: {  	_ =	strace $0x90000047  }
0x75: {  	s0 =	sadd.s32 @!p0 $0x100000, s0;
	[bflag:$0x2] =	sbarrier.arrive $0xFFFF  }
0x76: {  	[sflag:s0] =	ssyncadd.tile.s32 @!p0 $0x1;
	_ =	shalt  }
.Lfunc_end2:
_tile_overlayer_lowered:
.L_overlay_start_2:
0x77: {  	(tag) =	ssettag $0x2  }
0x78: {  	s0 =	rddreg [dreg:$0x0];
	s2 =	stileid.u32  }
0x79: {  	s1 =	rddreg [dreg:$0x1];
	p0 =	sne.s32 s2, $0x0  }
0x7a: {  	s3 =	rddreg [dreg:$0x2];
	[bflag:$0x3] =	sbarrier.arrive $0xFFFF;
	s2 =	simm.s32 @!p0 $0x1C02  }
0x7b: {  	[timem:s3], [sflag:s2] =	dma.local @!p0 [hbm:s0], s1  }
0x7c: {  	s0 =	simm.s32 @!p0 $0x2  }
0x7d: {  	_ =	swait.ge @!p0 [sflag:s0], s1  }
0x7e: {  	s1 =	ssub.s32 @!p0 $0x0, s1;
	[sflag:s0] =	ssyncset.done @!p0 $0x0  }
0x7f: {  	[sflag:s0] =	ssyncadd.s32 @!p0 s1  }
0x80: {  	[bflag:$0x3] =	sbarrier.arrive $0xFFFF  }
0x81: {  	_ =	shalt  }

</sc_bundles>
